<compile_context>
chip_gen: v7x
topology: tpu7x:2x2x1
jax: 0.10.2.dev20260603
libtpu: 0.0.44.dev20260713+nightly
codegen_flags: <defaults>
</compile_context>

<pallas_src>
import functools

import jax
import jax.numpy as jnp
from jax import lax
from jax.experimental import pallas as pl
from jax.experimental.pallas import tpu as pltpu
from jax.experimental.pallas import tpu_sc as plsc

N = 2048
D = 2048
F = 1024
E = 8
DS = 2048
BLK = 128
NT = 40
P = NT * BLK
BI = 256
NK = 4
KC = P // NK
NI = N // BI

NW = 32
RPW = P // NW
GCH = 40
DW = D // 2


def _router_dispatch_kernel(xf_ref, wr_ref, tok_ref, w_ref, te_ref):
    xf = xf_ref[...]
    wr = wr_ref[...]
    logits = jax.lax.dot_general(
        xf, wr, (((1,), (1,)), ((), ())), preferred_element_type=jnp.float32)
    m = jnp.max(logits, axis=1, keepdims=True)
    ex = jnp.exp(logits - m)
    s = ex / jnp.sum(ex, axis=1, keepdims=True)

    iota_e = jax.lax.broadcasted_iota(jnp.int32, (N, E), 1)
    m1 = jnp.max(s, axis=1, keepdims=True)
    i1 = jnp.min(jnp.where(s == m1, iota_e, E), axis=1, keepdims=True)
    s_mask = jnp.where(iota_e == i1, -jnp.inf, s)
    m2 = jnp.max(s_mask, axis=1, keepdims=True)
    i2 = jnp.min(jnp.where(s_mask == m2, iota_e, E), axis=1, keepdims=True)

    h1 = iota_e == i1
    h2 = iota_e == i2
    h = h1.astype(jnp.int32) + h2.astype(jnp.int32)

    c = h
    d = 1
    while d < N:
        c = c + jnp.concatenate(
            [jnp.zeros((d, E), jnp.int32), c[:N - d]], axis=0)
        d *= 2
    counts = c[N - 1:N, :]
    c_excl = c - h

    ntiles = (counts + (BLK - 1)) // BLK
    inc = ntiles
    d = 1
    while d < E:
        inc = inc + jnp.concatenate(
            [jnp.zeros((1, d), jnp.int32), inc[:, :E - d]], axis=1)
        d *= 2
    ts_excl = inc - ntiles
    start_slot = ts_excl * BLK

    p1 = jnp.sum(jnp.where(h1, start_slot + c_excl, 0), axis=1, keepdims=True)
    p2 = jnp.sum(jnp.where(h2, start_slot + c_excl, 0), axis=1, keepdims=True)

    t_col = jax.lax.broadcasted_iota(jnp.int32, (NT, 1), 0)
    ge = (t_col >= ts_excl).astype(jnp.int32)
    te_ref[...] = jnp.sum(ge, axis=1, keepdims=True) - 1

    n_col = jax.lax.broadcasted_iota(jnp.int32, (N, 1), 0)
    nf = n_col.astype(jnp.float32)
    iota_blk = jax.lax.broadcasted_iota(jnp.int32, (1, BLK), 1)

    def _match_body(t, _):
        slot_row = t * BLK + iota_blk
        m1f = (p1 == slot_row).astype(jnp.float32)
        m2f = (p2 == slot_row).astype(jnp.float32)
        tokf = jnp.sum((m1f + m2f) * nf, axis=0, keepdims=True)
        wv = jnp.sum(m1f * m1 + m2f * m2, axis=0, keepdims=True)
        tok_ref[pl.ds(t, 1), :] = tokf.astype(jnp.int32)
        w_ref[pl.ds(t, 1), :] = wv
        return 0

    jax.lax.fori_loop(0, NT, _match_body, 0)


def _sc_gather_kernel(xf_hbm, tok_hbm, xg_hbm, idx_v, rows0, rows1, s0, s1):
    wid = lax.axis_index("s") * 2 + lax.axis_index("c")
    base = wid * RPW
    pltpu.sync_copy(tok_hbm.at[pl.ds(base, RPW)], idx_v)

    nch = RPW // GCH
    bufs = [(rows0, s0), (rows1, s1)]
    copies = []
    for j in range(nch):
        rows_v, sem = bufs[j % 2]
        cp = pltpu.async_copy(
            xf_hbm.at[idx_v.at[pl.ds(j * GCH, GCH)]], rows_v, sem)
        copies.append(cp)
        if j >= 1:
            copies[j - 1].wait()
            pv, _ = bufs[(j - 1) % 2]
            pltpu.sync_copy(pv, xg_hbm.at[pl.ds(base + (j - 1) * GCH, GCH)])
    copies[nch - 1].wait()
    lv, _ = bufs[(nch - 1) % 2]
    pltpu.sync_copy(lv, xg_hbm.at[pl.ds(base + (nch - 1) * GCH, GCH)])


_sc_gather = functools.partial(
    pl.kernel,
    mesh=plsc.VectorSubcoreMesh(core_axis_name="c", subcore_axis_name="s"),
    out_type=jax.ShapeDtypeStruct((P, DW), jnp.int32),
    scratch_types=[
        pltpu.VMEM((RPW,), jnp.int32),
        pltpu.VMEM((GCH, DW), jnp.int32),
        pltpu.VMEM((GCH, DW), jnp.int32),
        pltpu.SemaphoreType.DMA,
        pltpu.SemaphoreType.DMA,
    ],
)(_sc_gather_kernel)


def _grouped_ffn_kernel(te_ref, xg_ref, wg_ref, wu_ref, wd_ref, y_ref):
    xgb = xg_ref[...]
    g = jnp.dot(xgb, wg_ref[0], preferred_element_type=jnp.float32)
    u = jnp.dot(xgb, wu_ref[0], preferred_element_type=jnp.float32)
    hh = (g * jax.nn.sigmoid(g) * u).astype(jnp.bfloat16)
    y_ref[...] = jnp.dot(
        hh, wd_ref[0], preferred_element_type=jnp.float32).astype(jnp.bfloat16)


def _shared_expert_kernel(xb_ref, swg_ref, swu_ref, swd_ref, o_ref):
    xb = xb_ref[...]
    g = jnp.dot(xb, swg_ref[...], preferred_element_type=jnp.float32)
    u = jnp.dot(xb, swu_ref[...], preferred_element_type=jnp.float32)
    hh = (g * jax.nn.sigmoid(g) * u).astype(jnp.bfloat16)
    o_ref[...] = jnp.dot(hh, swd_ref[...], preferred_element_type=jnp.float32)


def _combine_kernel(tok_ref, w_ref, y_ref, sh_ref, o_ref):
    i = pl.program_id(0)
    k = pl.program_id(1)
    tok = tok_ref[0]
    w = w_ref[0]
    n_col = i * BI + jax.lax.broadcasted_iota(jnp.int32, (BI, 1), 0)
    cmat = jnp.where(n_col == tok, w, 0.0).astype(jnp.bfloat16)
    contrib = jnp.dot(cmat, y_ref[...], preferred_element_type=jnp.float32)

    @pl.when(k == 0)
    def _():
        o_ref[...] = sh_ref[...] + contrib

    @pl.when(k > 0)
    def _():
        o_ref[...] = o_ref[...] + contrib


def kernel(x, W_router, Wg, Wu, Wd, sWg, sWu, sWd):
    xf = x.reshape(N, D)

    tok, w, te = pl.pallas_call(
        _router_dispatch_kernel,
        out_shape=(
            jax.ShapeDtypeStruct((NT, BLK), jnp.int32),
            jax.ShapeDtypeStruct((NT, BLK), jnp.float32),
            jax.ShapeDtypeStruct((NT, 1), jnp.int32),
        ),
    )(xf, W_router)

    xf16 = xf.astype(jnp.bfloat16)
    swg16 = sWg.astype(jnp.bfloat16)
    swu16 = sWu.astype(jnp.bfloat16)
    swd16 = sWd.astype(jnp.bfloat16)

    shared = pl.pallas_call(
        _shared_expert_kernel,
        grid=(NI,),
        in_specs=[
            pl.BlockSpec((BI, D), lambda i: (i, 0)),
            pl.BlockSpec((D, DS), lambda i: (0, 0)),
            pl.BlockSpec((D, DS), lambda i: (0, 0)),
            pl.BlockSpec((DS, D), lambda i: (0, 0)),
        ],
        out_specs=pl.BlockSpec((BI, D), lambda i: (i, 0)),
        out_shape=jax.ShapeDtypeStruct((N, D), jnp.float32),
    )(xf16, swg16, swu16, swd16)

    xf_i = jax.lax.bitcast_convert_type(
        xf16.reshape(N, DW, 2), jnp.int32)
    xg_i = _sc_gather(xf_i, tok.reshape(P))
    xg = jax.lax.bitcast_convert_type(xg_i, jnp.bfloat16).reshape(P, D)

    wg16 = Wg.astype(jnp.bfloat16)
    wu16 = Wu.astype(jnp.bfloat16)
    wd16 = Wd.astype(jnp.bfloat16)
    te_flat = te.reshape(NT)

    y = pl.pallas_call(
        _grouped_ffn_kernel,
        grid_spec=pltpu.PrefetchScalarGridSpec(
            num_scalar_prefetch=1,
            grid=(NT,),
            in_specs=[
                pl.BlockSpec((BLK, D), lambda t, te_r: (t, 0)),
                pl.BlockSpec((1, D, F), lambda t, te_r: (te_r[t], 0, 0)),
                pl.BlockSpec((1, D, F), lambda t, te_r: (te_r[t], 0, 0)),
                pl.BlockSpec((1, F, D), lambda t, te_r: (te_r[t], 0, 0)),
            ],
            out_specs=pl.BlockSpec((BLK, D), lambda t, te_r: (t, 0)),
        ),
        out_shape=jax.ShapeDtypeStruct((P, D), jnp.bfloat16),
    )(te_flat, xg, wg16, wu16, wd16)

    tokc = tok.reshape(NK, 1, KC)
    wc = w.reshape(NK, 1, KC)

    out = pl.pallas_call(
        _combine_kernel,
        grid=(NI, NK),
        in_specs=[
            pl.BlockSpec((1, 1, KC), lambda i, k: (k, 0, 0)),
            pl.BlockSpec((1, 1, KC), lambda i, k: (k, 0, 0)),
            pl.BlockSpec((KC, D), lambda i, k: (k, 0)),
            pl.BlockSpec((BI, D), lambda i, k: (i, 0)),
        ],
        out_specs=pl.BlockSpec((BI, D), lambda i, k: (i, 0)),
        out_shape=jax.ShapeDtypeStruct((N, D), jnp.float32),
    )(tokc, wc, y, shared)

    return out.reshape(1, N, D)

# --- scband reference (transcript-rebuilt; emitter-appended) ---
"""Pipeline reference for scband-mo-etorch-37082747634691 (READ-ONLY COPY).

The authoritative reference and input builder live on the scoring server;
editing this copy changes nothing except your own understanding.
"""

import jax, jax.numpy as jnp
import numpy as np

D_HIDDEN = 2048
D_EXPERT = 1024
N_EXPERTS = 8
TOP_K = 2
N_SHARED = 2
B, S = 1, 2048


def _silu(v):
    return v * jax.nn.sigmoid(v)


def setup_inputs(seed: int = 0) -> dict:
    key = jax.random.key(seed)
    ks = jax.random.split(key, 8)
    s1 = 1.0 / np.sqrt(D_HIDDEN)
    s2 = 1.0 / np.sqrt(D_EXPERT)
    ds = D_EXPERT * N_SHARED
    x = jax.random.normal(ks[0], (B, S, D_HIDDEN), dtype=jnp.float32)
    W_router = jax.random.normal(ks[1], (N_EXPERTS, D_HIDDEN), dtype=jnp.float32) * s1
    Wg = jax.random.normal(ks[2], (N_EXPERTS, D_HIDDEN, D_EXPERT), dtype=jnp.float32) * s1
    Wu = jax.random.normal(ks[3], (N_EXPERTS, D_HIDDEN, D_EXPERT), dtype=jnp.float32) * s1
    Wd = jax.random.normal(ks[4], (N_EXPERTS, D_EXPERT, D_HIDDEN), dtype=jnp.float32) * s2
    sWg = jax.random.normal(ks[5], (D_HIDDEN, ds), dtype=jnp.float32) * s1
    sWu = jax.random.normal(ks[6], (D_HIDDEN, ds), dtype=jnp.float32) * s1
    sWd = jax.random.normal(ks[7], (ds, D_HIDDEN), dtype=jnp.float32) * (1.0 / np.sqrt(ds))
    return {"x": x, "W_router": W_router, "Wg": Wg, "Wu": Wu, "Wd": Wd,
            "sWg": sWg, "sWu": sWu, "sWd": sWd}


def _moe_forward(x, W_router, Wg, Wu, Wd, sWg, sWu, sWd):
    Bb, Ss, D = x.shape
    xf = x.reshape(-1, D)
    N = xf.shape[0]
    # shared expert (SwiGLU)
    shared = (_silu(xf @ sWg) * (xf @ sWu)) @ sWd
    # gating network
    logits = xf @ W_router.T
    scores = jax.nn.softmax(logits, axis=-1)
    topk_scores, topk_idx = jax.lax.top_k(scores, TOP_K)
    # build dense [N, E] routing weight matrix (scatter of top-k scores)
    weights = jnp.zeros_like(scores)
    rows = jnp.arange(N)[:, None]
    weights = weights.at[rows, topk_idx].add(topk_scores)
    # per-expert SwiGLU applied densely, then masked-weighted combine
    def expert(xt, wg, wu, wd):
        return (_silu(xt @ wg) * (xt @ wu)) @ wd
    outs = jax.vmap(expert, in_axes=(None, 0, 0, 0))(xf, Wg, Wu, Wd)  # [E, N, D]
    routed = jnp.einsum('ne,end->nd', weights, outs)
    return (routed + shared).reshape(Bb, Ss, D)


def reference(x, W_router, Wg, Wu, Wd, sWg, sWu, sWd):
    return _moe_forward(x, W_router, Wg, Wu, Wd, sWg, sWu, sWd)

if __name__ == "__main__":
    import jax
    _d = setup_inputs()
    print(jax.jit(kernel)(*tuple(_d.values())))

</pallas_src>

<mosaic_0001>
#map = affine_map<(d0, d1) -> (0, 0)>
#map1 = affine_map<(d0, d1) -> (0)>
module attributes {stable_mosaic.version = 14 : i64} {
  func.func @_sc_gather_kernel(%arg0: i32, %arg1: i32, %arg2: memref<2048x1024xi32, #tpu.memory_space<hbm>>, %arg3: memref<5120xi32, #tpu.memory_space<hbm>>, %arg4: memref<5120x1024xi32, #tpu.memory_space<hbm>>, %arg5: memref<160xi32, #tpu.memory_space<vmem>>, %arg6: memref<40x1024xi32, #tpu.memory_space<vmem>>, %arg7: memref<40x1024xi32, #tpu.memory_space<vmem>>, %arg8: memref<!tpu.dma_semaphore, #tpu.memory_space<semaphore_mem>>, %arg9: memref<!tpu.dma_semaphore, #tpu.memory_space<semaphore_mem>>) attributes {dimension_semantics = [#tpu.dimension_semantics<core_parallel>, #tpu.dimension_semantics<subcore_parallel>], iteration_bounds = array<i64: 2, 16>, scalar_prefetch = 0 : i64, scratch_operands = 5 : i64, tpu.core_type = #tpu.core_type<sc_vector_subcore>, window_params = [{transform_indices = #map}, {transform_indices = #map1}, {transform_indices = #map}]} {
    %mul3A = arith.constant 2 : i32
    %mul3A_0 = arith.muli %arg1, %mul3A : i32
    %add3A = arith.addi %mul3A_0, %arg0 : i32
    %mul3A_1 = arith.constant 160 : i32
    %mul3A_2 = arith.muli %add3A, %mul3A_1 : i32
    "tpu.region"() ({
      %run_scoped3A = tpu.sem_alloc : memref<!tpu.dma_semaphore, #tpu.memory_space<semaphore_mem>>
      %dma_start3A_49 = tpu.memref_slice %arg3[%mul3A_2] : memref<5120xi32, #tpu.memory_space<hbm>> -> memref<160xi32, #tpu.memory_space<hbm>>
      %dma_start3A_50 = tpu.memref_slice %arg3[%mul3A_2] : memref<5120xi32, #tpu.memory_space<hbm>> -> memref<160xi32, #tpu.memory_space<hbm>>
      tpu.enqueue_dma source(%dma_start3A_50 : memref<160xi32, #tpu.memory_space<hbm>>) target(%arg5 : memref<160xi32, #tpu.memory_space<vmem>>) target_semaphore(%run_scoped3A : memref<!tpu.dma_semaphore, #tpu.memory_space<semaphore_mem>>)
      %dma_wait3A_51 = tpu.memref_slice %arg3[%mul3A_2] : memref<5120xi32, #tpu.memory_space<hbm>> -> memref<160xi32, #tpu.memory_space<hbm>>
      %dma_wait3A_52 = tpu.memref_slice %arg3[%mul3A_2] : memref<5120xi32, #tpu.memory_space<hbm>> -> memref<160xi32, #tpu.memory_space<hbm>>
      tpu.wait_dma2 semaphore(%run_scoped3A : memref<!tpu.dma_semaphore, #tpu.memory_space<semaphore_mem>>) src(%dma_wait3A_52 : memref<160xi32, #tpu.memory_space<hbm>>) dst(%arg5 : memref<160xi32, #tpu.memory_space<vmem>>)
      tpu.yield
    }) : () -> ()
    %dma_start3A = arith.constant 0 : i32
    %dma_start3A_3 = tpu.memref_slice %arg5[%dma_start3A] : memref<160xi32, #tpu.memory_space<vmem>> -> memref<40xi32, #tpu.memory_space<vmem>>
    %dma_start3A_4 = arith.constant 0 : i32
    %dma_start3A_5 = arith.constant 0 : i32
    %dma_start3A_6 = tpu.memref_slice %arg2[%dma_start3A_4, %dma_start3A_5] : memref<2048x1024xi32, #tpu.memory_space<hbm>> -> memref<2048x1024xi32, #tpu.memory_space<hbm>>
    tpu.enqueue_indirect_dma source(%dma_start3A_6 : memref<2048x1024xi32, #tpu.memory_space<hbm>>) target(%arg6 : memref<40x1024xi32, #tpu.memory_space<vmem>>) offsets(%dma_start3A_3 : memref<40xi32, #tpu.memory_space<vmem>>) semaphore(%arg8 : memref<!tpu.dma_semaphore, #tpu.memory_space<semaphore_mem>>)
    %dma_start3A_7 = arith.constant 40 : i32
    %dma_start3A_8 = tpu.memref_slice %arg5[%dma_start3A_7] : memref<160xi32, #tpu.memory_space<vmem>> -> memref<40xi32, #tpu.memory_space<vmem>>
    %dma_start3A_9 = arith.constant 0 : i32
    %dma_start3A_10 = arith.constant 0 : i32
    %dma_start3A_11 = tpu.memref_slice %arg2[%dma_start3A_9, %dma_start3A_10] : memref<2048x1024xi32, #tpu.memory_space<hbm>> -> memref<2048x1024xi32, #tpu.memory_space<hbm>>
    tpu.enqueue_indirect_dma source(%dma_start3A_11 : memref<2048x1024xi32, #tpu.memory_space<hbm>>) target(%arg7 : memref<40x1024xi32, #tpu.memory_space<vmem>>) offsets(%dma_start3A_8 : memref<40xi32, #tpu.memory_space<vmem>>) semaphore(%arg9 : memref<!tpu.dma_semaphore, #tpu.memory_space<semaphore_mem>>)
    %dma_wait3A = arith.constant 0 : i32
    %dma_wait3A_12 = tpu.memref_slice %arg5[%dma_wait3A] : memref<160xi32, #tpu.memory_space<vmem>> -> memref<40xi32, #tpu.memory_space<vmem>>
    %dma_wait3A_13 = arith.constant 0 : i32
    %dma_wait3A_14 = arith.constant 0 : i32
    %dma_wait3A_15 = tpu.memref_slice %arg2[%dma_wait3A_13, %dma_wait3A_14] : memref<2048x1024xi32, #tpu.memory_space<hbm>> -> memref<2048x1024xi32, #tpu.memory_space<hbm>>
    tpu.wait_indirect_dma semaphore(%arg8 : memref<!tpu.dma_semaphore, #tpu.memory_space<semaphore_mem>>) src(%dma_wait3A_15 : memref<2048x1024xi32, #tpu.memory_space<hbm>>) dst(%arg6 : memref<40x1024xi32, #tpu.memory_space<vmem>>)
    %add3A_16 = arith.constant 0 : i32
    %add3A_17 = arith.addi %mul3A_2, %add3A_16 : i32
    "tpu.region"() ({
      %run_scoped3A = tpu.sem_alloc : memref<!tpu.dma_semaphore, #tpu.memory_space<semaphore_mem>>
      %dma_start3A_49 = arith.constant 0 : i32
      %dma_start3A_50 = tpu.memref_slice %arg4[%add3A_17, %dma_start3A_49] : memref<5120x1024xi32, #tpu.memory_space<hbm>> -> memref<40x1024xi32, #tpu.memory_space<hbm>>
      %dma_start3A_51 = arith.constant 0 : i32
      %dma_start3A_52 = tpu.memref_slice %arg4[%add3A_17, %dma_start3A_51] : memref<5120x1024xi32, #tpu.memory_space<hbm>> -> memref<40x1024xi32, #tpu.memory_space<hbm>>
      tpu.enqueue_dma source(%arg6 : memref<40x1024xi32, #tpu.memory_space<vmem>>) target(%dma_start3A_52 : memref<40x1024xi32, #tpu.memory_space<hbm>>) target_semaphore(%run_scoped3A : memref<!tpu.dma_semaphore, #tpu.memory_space<semaphore_mem>>)
      %dma_wait3A_53 = arith.constant 0 : i32
      %dma_wait3A_54 = tpu.memref_slice %arg4[%add3A_17, %dma_wait3A_53] : memref<5120x1024xi32, #tpu.memory_space<hbm>> -> memref<40x1024xi32, #tpu.memory_space<hbm>>
      %dma_wait3A_55 = arith.constant 0 : i32
      %dma_wait3A_56 = tpu.memref_slice %arg4[%add3A_17, %dma_wait3A_55] : memref<5120x1024xi32, #tpu.memory_space<hbm>> -> memref<40x1024xi32, #tpu.memory_space<hbm>>
      tpu.wait_dma2 semaphore(%run_scoped3A : memref<!tpu.dma_semaphore, #tpu.memory_space<semaphore_mem>>) src(%arg6 : memref<40x1024xi32, #tpu.memory_space<vmem>>) dst(%dma_wait3A_56 : memref<40x1024xi32, #tpu.memory_space<hbm>>)
      tpu.yield
    }) : () -> ()
    %dma_start3A_18 = arith.constant 80 : i32
    %dma_start3A_19 = tpu.memref_slice %arg5[%dma_start3A_18] : memref<160xi32, #tpu.memory_space<vmem>> -> memref<40xi32, #tpu.memory_space<vmem>>
    %dma_start3A_20 = arith.constant 0 : i32
    %dma_start3A_21 = arith.constant 0 : i32
    %dma_start3A_22 = tpu.memref_slice %arg2[%dma_start3A_20, %dma_start3A_21] : memref<2048x1024xi32, #tpu.memory_space<hbm>> -> memref<2048x1024xi32, #tpu.memory_space<hbm>>
    tpu.enqueue_indirect_dma source(%dma_start3A_22 : memref<2048x1024xi32, #tpu.memory_space<hbm>>) target(%arg6 : memref<40x1024xi32, #tpu.memory_space<vmem>>) offsets(%dma_start3A_19 : memref<40xi32, #tpu.memory_space<vmem>>) semaphore(%arg8 : memref<!tpu.dma_semaphore, #tpu.memory_space<semaphore_mem>>)
    %dma_wait3A_23 = arith.constant 40 : i32
    %dma_wait3A_24 = tpu.memref_slice %arg5[%dma_wait3A_23] : memref<160xi32, #tpu.memory_space<vmem>> -> memref<40xi32, #tpu.memory_space<vmem>>
    %dma_wait3A_25 = arith.constant 0 : i32
    %dma_wait3A_26 = arith.constant 0 : i32
    %dma_wait3A_27 = tpu.memref_slice %arg2[%dma_wait3A_25, %dma_wait3A_26] : memref<2048x1024xi32, #tpu.memory_space<hbm>> -> memref<2048x1024xi32, #tpu.memory_space<hbm>>
    tpu.wait_indirect_dma semaphore(%arg9 : memref<!tpu.dma_semaphore, #tpu.memory_space<semaphore_mem>>) src(%dma_wait3A_27 : memref<2048x1024xi32, #tpu.memory_space<hbm>>) dst(%arg7 : memref<40x1024xi32, #tpu.memory_space<vmem>>)
    %add3A_28 = arith.constant 40 : i32
    %add3A_29 = arith.addi %mul3A_2, %add3A_28 : i32
    "tpu.region"() ({
      %run_scoped3A = tpu.sem_alloc : memref<!tpu.dma_semaphore, #tpu.memory_space<semaphore_mem>>
      %dma_start3A_49 = arith.constant 0 : i32
      %dma_start3A_50 = tpu.memref_slice %arg4[%add3A_29, %dma_start3A_49] : memref<5120x1024xi32, #tpu.memory_space<hbm>> -> memref<40x1024xi32, #tpu.memory_space<hbm>>
      %dma_start3A_51 = arith.constant 0 : i32
      %dma_start3A_52 = tpu.memref_slice %arg4[%add3A_29, %dma_start3A_51] : memref<5120x1024xi32, #tpu.memory_space<hbm>> -> memref<40x1024xi32, #tpu.memory_space<hbm>>
      tpu.enqueue_dma source(%arg7 : memref<40x1024xi32, #tpu.memory_space<vmem>>) target(%dma_start3A_52 : memref<40x1024xi32, #tpu.memory_space<hbm>>) target_semaphore(%run_scoped3A : memref<!tpu.dma_semaphore, #tpu.memory_space<semaphore_mem>>)
      %dma_wait3A_53 = arith.constant 0 : i32
      %dma_wait3A_54 = tpu.memref_slice %arg4[%add3A_29, %dma_wait3A_53] : memref<5120x1024xi32, #tpu.memory_space<hbm>> -> memref<40x1024xi32, #tpu.memory_space<hbm>>
      %dma_wait3A_55 = arith.constant 0 : i32
      %dma_wait3A_56 = tpu.memref_slice %arg4[%add3A_29, %dma_wait3A_55] : memref<5120x1024xi32, #tpu.memory_space<hbm>> -> memref<40x1024xi32, #tpu.memory_space<hbm>>
      tpu.wait_dma2 semaphore(%run_scoped3A : memref<!tpu.dma_semaphore, #tpu.memory_space<semaphore_mem>>) src(%arg7 : memref<40x1024xi32, #tpu.memory_space<vmem>>) dst(%dma_wait3A_56 : memref<40x1024xi32, #tpu.memory_space<hbm>>)
      tpu.yield
    }) : () -> ()
    %dma_start3A_30 = arith.constant 120 : i32
    %dma_start3A_31 = tpu.memref_slice %arg5[%dma_start3A_30] : memref<160xi32, #tpu.memory_space<vmem>> -> memref<40xi32, #tpu.memory_space<vmem>>
    %dma_start3A_32 = arith.constant 0 : i32
    %dma_start3A_33 = arith.constant 0 : i32
    %dma_start3A_34 = tpu.memref_slice %arg2[%dma_start3A_32, %dma_start3A_33] : memref<2048x1024xi32, #tpu.memory_space<hbm>> -> memref<2048x1024xi32, #tpu.memory_space<hbm>>
    tpu.enqueue_indirect_dma source(%dma_start3A_34 : memref<2048x1024xi32, #tpu.memory_space<hbm>>) target(%arg7 : memref<40x1024xi32, #tpu.memory_space<vmem>>) offsets(%dma_start3A_31 : memref<40xi32, #tpu.memory_space<vmem>>) semaphore(%arg9 : memref<!tpu.dma_semaphore, #tpu.memory_space<semaphore_mem>>)
    %dma_wait3A_35 = arith.constant 80 : i32
    %dma_wait3A_36 = tpu.memref_slice %arg5[%dma_wait3A_35] : memref<160xi32, #tpu.memory_space<vmem>> -> memref<40xi32, #tpu.memory_space<vmem>>
    %dma_wait3A_37 = arith.constant 0 : i32
    %dma_wait3A_38 = arith.constant 0 : i32
    %dma_wait3A_39 = tpu.memref_slice %arg2[%dma_wait3A_37, %dma_wait3A_38] : memref<2048x1024xi32, #tpu.memory_space<hbm>> -> memref<2048x1024xi32, #tpu.memory_space<hbm>>
    tpu.wait_indirect_dma semaphore(%arg8 : memref<!tpu.dma_semaphore, #tpu.memory_space<semaphore_mem>>) src(%dma_wait3A_39 : memref<2048x1024xi32, #tpu.memory_space<hbm>>) dst(%arg6 : memref<40x1024xi32, #tpu.memory_space<vmem>>)
    %add3A_40 = arith.constant 80 : i32
    %add3A_41 = arith.addi %mul3A_2, %add3A_40 : i32
    "tpu.region"() ({
      %run_scoped3A = tpu.sem_alloc : memref<!tpu.dma_semaphore, #tpu.memory_space<semaphore_mem>>
      %dma_start3A_49 = arith.constant 0 : i32
      %dma_start3A_50 = tpu.memref_slice %arg4[%add3A_41, %dma_start3A_49] : memref<5120x1024xi32, #tpu.memory_space<hbm>> -> memref<40x1024xi32, #tpu.memory_space<hbm>>
      %dma_start3A_51 = arith.constant 0 : i32
      %dma_start3A_52 = tpu.memref_slice %arg4[%add3A_41, %dma_start3A_51] : memref<5120x1024xi32, #tpu.memory_space<hbm>> -> memref<40x1024xi32, #tpu.memory_space<hbm>>
      tpu.enqueue_dma source(%arg6 : memref<40x1024xi32, #tpu.memory_space<vmem>>) target(%dma_start3A_52 : memref<40x1024xi32, #tpu.memory_space<hbm>>) target_semaphore(%run_scoped3A : memref<!tpu.dma_semaphore, #tpu.memory_space<semaphore_mem>>)
      %dma_wait3A_53 = arith.constant 0 : i32
      %dma_wait3A_54 = tpu.memref_slice %arg4[%add3A_41, %dma_wait3A_53] : memref<5120x1024xi32, #tpu.memory_space<hbm>> -> memref<40x1024xi32, #tpu.memory_space<hbm>>
      %dma_wait3A_55 = arith.constant 0 : i32
      %dma_wait3A_56 = tpu.memref_slice %arg4[%add3A_41, %dma_wait3A_55] : memref<5120x1024xi32, #tpu.memory_space<hbm>> -> memref<40x1024xi32, #tpu.memory_space<hbm>>
      tpu.wait_dma2 semaphore(%run_scoped3A : memref<!tpu.dma_semaphore, #tpu.memory_space<semaphore_mem>>) src(%arg6 : memref<40x1024xi32, #tpu.memory_space<vmem>>) dst(%dma_wait3A_56 : memref<40x1024xi32, #tpu.memory_space<hbm>>)
      tpu.yield
    }) : () -> ()
    %dma_wait3A_42 = arith.constant 120 : i32
    %dma_wait3A_43 = tpu.memref_slice %arg5[%dma_wait3A_42] : memref<160xi32, #tpu.memory_space<vmem>> -> memref<40xi32, #tpu.memory_space<vmem>>
    %dma_wait3A_44 = arith.constant 0 : i32
    %dma_wait3A_45 = arith.constant 0 : i32
    %dma_wait3A_46 = tpu.memref_slice %arg2[%dma_wait3A_44, %dma_wait3A_45] : memref<2048x1024xi32, #tpu.memory_space<hbm>> -> memref<2048x1024xi32, #tpu.memory_space<hbm>>
    tpu.wait_indirect_dma semaphore(%arg9 : memref<!tpu.dma_semaphore, #tpu.memory_space<semaphore_mem>>) src(%dma_wait3A_46 : memref<2048x1024xi32, #tpu.memory_space<hbm>>) dst(%arg7 : memref<40x1024xi32, #tpu.memory_space<vmem>>)
    %add3A_47 = arith.constant 120 : i32
    %add3A_48 = arith.addi %mul3A_2, %add3A_47 : i32
    "tpu.region"() ({
      %run_scoped3A = tpu.sem_alloc : memref<!tpu.dma_semaphore, #tpu.memory_space<semaphore_mem>>
      %dma_start3A_49 = arith.constant 0 : i32
      %dma_start3A_50 = tpu.memref_slice %arg4[%add3A_48, %dma_start3A_49] : memref<5120x1024xi32, #tpu.memory_space<hbm>> -> memref<40x1024xi32, #tpu.memory_space<hbm>>
      %dma_start3A_51 = arith.constant 0 : i32
      %dma_start3A_52 = tpu.memref_slice %arg4[%add3A_48, %dma_start3A_51] : memref<5120x1024xi32, #tpu.memory_space<hbm>> -> memref<40x1024xi32, #tpu.memory_space<hbm>>
      tpu.enqueue_dma source(%arg7 : memref<40x1024xi32, #tpu.memory_space<vmem>>) target(%dma_start3A_52 : memref<40x1024xi32, #tpu.memory_space<hbm>>) target_semaphore(%run_scoped3A : memref<!tpu.dma_semaphore, #tpu.memory_space<semaphore_mem>>)
      %dma_wait3A_53 = arith.constant 0 : i32
      %dma_wait3A_54 = tpu.memref_slice %arg4[%add3A_48, %dma_wait3A_53] : memref<5120x1024xi32, #tpu.memory_space<hbm>> -> memref<40x1024xi32, #tpu.memory_space<hbm>>
      %dma_wait3A_55 = arith.constant 0 : i32
      %dma_wait3A_56 = tpu.memref_slice %arg4[%add3A_48, %dma_wait3A_55] : memref<5120x1024xi32, #tpu.memory_space<hbm>> -> memref<40x1024xi32, #tpu.memory_space<hbm>>
      tpu.wait_dma2 semaphore(%run_scoped3A : memref<!tpu.dma_semaphore, #tpu.memory_space<semaphore_mem>>) src(%arg7 : memref<40x1024xi32, #tpu.memory_space<vmem>>) dst(%dma_wait3A_56 : memref<40x1024xi32, #tpu.memory_space<hbm>>)
      tpu.yield
    }) : () -> ()
    return
  }
}

module attributes {stable_mosaic.version = 14 : i64} {
  func.func @_router_dispatch_kernel(%arg0: memref<2048x2048xf32, #tpu.memory_space<vmem>>, %arg1: memref<8x2048xf32, #tpu.memory_space<vmem>>, %arg2: memref<40x128xi32, #tpu.memory_space<vmem>>, %arg3: memref<40x128xf32, #tpu.memory_space<vmem>>, %arg4: memref<40x1xi32, #tpu.memory_space<vmem>>) attributes {dimension_semantics = [], scalar_prefetch = 0 : i64, scratch_operands = 0 : i64, tpu.core_type = #tpu.core_type<tc>} {
    %get3A = arith.constant 0 : index
    %get3A_0 = arith.constant 0 : index
    %get3A_1 = vector.load %arg0[%get3A, %get3A_0] : memref<2048x2048xf32, #tpu.memory_space<vmem>>, vector<2048x2048xf32>
    %get3A_2 = arith.constant 0 : index
    %get3A_3 = arith.constant 0 : index
    %get3A_4 = vector.load %arg1[%get3A_2, %get3A_3] : memref<8x2048xf32, #tpu.memory_space<vmem>>, vector<8x2048xf32>
    %dot_general3A = arith.constant dense<0.000000e+00> : vector<2048x8xf32>
    %dot_general3A_5 = tpu.matmul %get3A_1, %get3A_4, %dot_general3A {dimension_numbers = #tpu.dot_dimension_numbers<[1], [1], [0], [0], [0, 0, 1, 0], [], []>, transpose_lhs_hint = false} : vector<2048x2048xf32>, vector<8x2048xf32>, vector<2048x8xf32> -> vector<2048x8xf32>
    %reduce_max3A = arith.constant dense<0xFF800000> : vector<2048xf32>
    %reduce_max3A_6 = vector.multi_reduction <maximumf>, %dot_general3A_5, %reduce_max3A [1] : vector<2048x8xf32> to vector<2048xf32>
    %broadcast_in_dim3A = vector.shape_cast %reduce_max3A_6 : vector<2048xf32> to vector<2048x1xf32>
    %sub3A = vector.broadcast %broadcast_in_dim3A : vector<2048x1xf32> to vector<2048x8xf32>
    %sub3A_7 = arith.subf %dot_general3A_5, %sub3A : vector<2048x8xf32>
    %exp3A = math.exp %sub3A_7 : vector<2048x8xf32>
    %reduce_sum3A = arith.constant dense<0.000000e+00> : vector<2048xf32>
    %reduce_sum3A_8 = vector.multi_reduction <add>, %exp3A, %reduce_sum3A [1] : vector<2048x8xf32> to vector<2048xf32>
    %broadcast_in_dim3A_9 = vector.shape_cast %reduce_sum3A_8 : vector<2048xf32> to vector<2048x1xf32>
    %div3A = vector.broadcast %broadcast_in_dim3A_9 : vector<2048x1xf32> to vector<2048x8xf32>
    %div3A_10 = arith.divf %exp3A, %div3A : vector<2048x8xf32>
    %iota3A = tpu.iota {dimensions = array<i32: 1>} : vector<2048x8xi32>
    %reduce_max3A_11 = arith.constant dense<0xFF800000> : vector<2048xf32>
    %reduce_max3A_12 = vector.multi_reduction <maximumf>, %div3A_10, %reduce_max3A_11 [1] : vector<2048x8xf32> to vector<2048xf32>
    %broadcast_in_dim3A_13 = vector.shape_cast %reduce_max3A_12 : vector<2048xf32> to vector<2048x1xf32>
    %eq3A = vector.broadcast %broadcast_in_dim3A_13 : vector<2048x1xf32> to vector<2048x8xf32>
    %eq3A_14 = arith.cmpf oeq, %div3A_10, %eq3A : vector<2048x8xf32>
    %jit3A = arith.constant 8 : i32
    %broadcast_in_dim3A_15 = vector.broadcast %jit3A : i32 to vector<2048x8xi32>
    %select_n3A = arith.select %eq3A_14, %iota3A, %broadcast_in_dim3A_15 : vector<2048x8xi1>, vector<2048x8xi32>
    %reduce_min3A = arith.constant dense<2147483647> : vector<2048xi32>
    %reduce_min3A_16 = vector.multi_reduction <minsi>, %select_n3A, %reduce_min3A [1] : vector<2048x8xi32> to vector<2048xi32>
    %broadcast_in_dim3A_17 = vector.shape_cast %reduce_min3A_16 : vector<2048xi32> to vector<2048x1xi32>
    %eq3A_18 = vector.broadcast %broadcast_in_dim3A_17 : vector<2048x1xi32> to vector<2048x8xi32>
    %eq3A_19 = arith.cmpi eq, %iota3A, %eq3A_18 : vector<2048x8xi32>
    %jit3A_20 = arith.constant 0xFF800000 : f32
    %broadcast_in_dim3A_21 = vector.broadcast %jit3A_20 : f32 to vector<2048x8xf32>
    %select_n3A_22 = arith.select %eq3A_19, %broadcast_in_dim3A_21, %div3A_10 : vector<2048x8xi1>, vector<2048x8xf32>
    %reduce_max3A_23 = arith.constant dense<0xFF800000> : vector<2048xf32>
    %reduce_max3A_24 = vector.multi_reduction <maximumf>, %select_n3A_22, %reduce_max3A_23 [1] : vector<2048x8xf32> to vector<2048xf32>
    %broadcast_in_dim3A_25 = vector.shape_cast %reduce_max3A_24 : vector<2048xf32> to vector<2048x1xf32>
    %eq3A_26 = vector.broadcast %broadcast_in_dim3A_25 : vector<2048x1xf32> to vector<2048x8xf32>
    %eq3A_27 = arith.cmpf oeq, %select_n3A_22, %eq3A_26 : vector<2048x8xf32>
    %jit3A_28 = arith.constant 8 : i32
    %broadcast_in_dim3A_29 = vector.broadcast %jit3A_28 : i32 to vector<2048x8xi32>
    %select_n3A_30 = arith.select %eq3A_27, %iota3A, %broadcast_in_dim3A_29 : vector<2048x8xi1>, vector<2048x8xi32>
    %reduce_min3A_31 = arith.constant dense<2147483647> : vector<2048xi32>
    %reduce_min3A_32 = vector.multi_reduction <minsi>, %select_n3A_30, %reduce_min3A_31 [1] : vector<2048x8xi32> to vector<2048xi32>
    %broadcast_in_dim3A_33 = vector.shape_cast %reduce_min3A_32 : vector<2048xi32> to vector<2048x1xi32>
    %eq3A_34 = vector.broadcast %broadcast_in_dim3A_17 : vector<2048x1xi32> to vector<2048x8xi32>
    %eq3A_35 = arith.cmpi eq, %iota3A, %eq3A_34 : vector<2048x8xi32>
    %eq3A_36 = vector.broadcast %broadcast_in_dim3A_33 : vector<2048x1xi32> to vector<2048x8xi32>
    %eq3A_37 = arith.cmpi eq, %iota3A, %eq3A_36 : vector<2048x8xi32>
    %convert_element_type3A = arith.extui %eq3A_35 : vector<2048x8xi1> to vector<2048x8xi32>
    %convert_element_type3A_38 = arith.extui %eq3A_37 : vector<2048x8xi1> to vector<2048x8xi32>
    %add3A = arith.addi %convert_element_type3A, %convert_element_type3A_38 : vector<2048x8xi32>
    %broadcast_in_dim3A_39 = arith.constant 0 : i32
    %broadcast_in_dim3A_40 = vector.broadcast %broadcast_in_dim3A_39 : i32 to vector<1x8xi32>
    %slice3A = vector.extract_strided_slice %add3A {offsets = [0, 0], sizes = [2047, 8], strides = [1, 1]} : vector<2048x8xi32> to vector<2047x8xi32>
    %concatenate3A = tpu.concatenate %broadcast_in_dim3A_40, %slice3A in 0 : vector<1x8xi32>, vector<2047x8xi32> -> vector<2048x8xi32>
    %add3A_41 = arith.addi %add3A, %concatenate3A : vector<2048x8xi32>
    %broadcast_in_dim3A_42 = arith.constant 0 : i32
    %broadcast_in_dim3A_43 = vector.broadcast %broadcast_in_dim3A_42 : i32 to vector<2x8xi32>
    %slice3A_44 = vector.extract_strided_slice %add3A_41 {offsets = [0, 0], sizes = [2046, 8], strides = [1, 1]} : vector<2048x8xi32> to vector<2046x8xi32>
    %concatenate3A_45 = tpu.concatenate %broadcast_in_dim3A_43, %slice3A_44 in 0 : vector<2x8xi32>, vector<2046x8xi32> -> vector<2048x8xi32>
    %add3A_46 = arith.addi %add3A_41, %concatenate3A_45 : vector<2048x8xi32>
    %broadcast_in_dim3A_47 = arith.constant 0 : i32
    %broadcast_in_dim3A_48 = vector.broadcast %broadcast_in_dim3A_47 : i32 to vector<4x8xi32>
    %slice3A_49 = vector.extract_strided_slice %add3A_46 {offsets = [0, 0], sizes = [2044, 8], strides = [1, 1]} : vector<2048x8xi32> to vector<2044x8xi32>
    %concatenate3A_50 = tpu.concatenate %broadcast_in_dim3A_48, %slice3A_49 in 0 : vector<4x8xi32>, vector<2044x8xi32> -> vector<2048x8xi32>
    %add3A_51 = arith.addi %add3A_46, %concatenate3A_50 : vector<2048x8xi32>
    %broadcast_in_dim3A_52 = arith.constant 0 : i32
    %broadcast_in_dim3A_53 = vector.broadcast %broadcast_in_dim3A_52 : i32 to vector<8x8xi32>
    %slice3A_54 = vector.extract_strided_slice %add3A_51 {offsets = [0, 0], sizes = [2040, 8], strides = [1, 1]} : vector<2048x8xi32> to vector<2040x8xi32>
    %concatenate3A_55 = tpu.concatenate %broadcast_in_dim3A_53, %slice3A_54 in 0 : vector<8x8xi32>, vector<2040x8xi32> -> vector<2048x8xi32>
    %add3A_56 = arith.addi %add3A_51, %concatenate3A_55 : vector<2048x8xi32>
    %broadcast_in_dim3A_57 = arith.constant 0 : i32
    %broadcast_in_dim3A_58 = vector.broadcast %broadcast_in_dim3A_57 : i32 to vector<16x8xi32>
    %slice3A_59 = vector.extract_strided_slice %add3A_56 {offsets = [0, 0], sizes = [2032, 8], strides = [1, 1]} : vector<2048x8xi32> to vector<2032x8xi32>
    %concatenate3A_60 = tpu.concatenate %broadcast_in_dim3A_58, %slice3A_59 in 0 : vector<16x8xi32>, vector<2032x8xi32> -> vector<2048x8xi32>
    %add3A_61 = arith.addi %add3A_56, %concatenate3A_60 : vector<2048x8xi32>
    %broadcast_in_dim3A_62 = arith.constant 0 : i32
    %broadcast_in_dim3A_63 = vector.broadcast %broadcast_in_dim3A_62 : i32 to vector<32x8xi32>
    %slice3A_64 = vector.extract_strided_slice %add3A_61 {offsets = [0, 0], sizes = [2016, 8], strides = [1, 1]} : vector<2048x8xi32> to vector<2016x8xi32>
    %concatenate3A_65 = tpu.concatenate %broadcast_in_dim3A_63, %slice3A_64 in 0 : vector<32x8xi32>, vector<2016x8xi32> -> vector<2048x8xi32>
    %add3A_66 = arith.addi %add3A_61, %concatenate3A_65 : vector<2048x8xi32>
    %broadcast_in_dim3A_67 = arith.constant 0 : i32
    %broadcast_in_dim3A_68 = vector.broadcast %broadcast_in_dim3A_67 : i32 to vector<64x8xi32>
    %slice3A_69 = vector.extract_strided_slice %add3A_66 {offsets = [0, 0], sizes = [1984, 8], strides = [1, 1]} : vector<2048x8xi32> to vector<1984x8xi32>
    %concatenate3A_70 = tpu.concatenate %broadcast_in_dim3A_68, %slice3A_69 in 0 : vector<64x8xi32>, vector<1984x8xi32> -> vector<2048x8xi32>
    %add3A_71 = arith.addi %add3A_66, %concatenate3A_70 : vector<2048x8xi32>
    %broadcast_in_dim3A_72 = arith.constant 0 : i32
    %broadcast_in_dim3A_73 = vector.broadcast %broadcast_in_dim3A_72 : i32 to vector<128x8xi32>
    %slice3A_74 = vector.extract_strided_slice %add3A_71 {offsets = [0, 0], sizes = [1920, 8], strides = [1, 1]} : vector<2048x8xi32> to vector<1920x8xi32>
    %concatenate3A_75 = tpu.concatenate %broadcast_in_dim3A_73, %slice3A_74 in 0 : vector<128x8xi32>, vector<1920x8xi32> -> vector<2048x8xi32>
    %add3A_76 = arith.addi %add3A_71, %concatenate3A_75 : vector<2048x8xi32>
    %broadcast_in_dim3A_77 = arith.constant 0 : i32
    %broadcast_in_dim3A_78 = vector.broadcast %broadcast_in_dim3A_77 : i32 to vector<256x8xi32>
    %slice3A_79 = vector.extract_strided_slice %add3A_76 {offsets = [0, 0], sizes = [1792, 8], strides = [1, 1]} : vector<2048x8xi32> to vector<1792x8xi32>
    %concatenate3A_80 = tpu.concatenate %broadcast_in_dim3A_78, %slice3A_79 in 0 : vector<256x8xi32>, vector<1792x8xi32> -> vector<2048x8xi32>
    %add3A_81 = arith.addi %add3A_76, %concatenate3A_80 : vector<2048x8xi32>
    %broadcast_in_dim3A_82 = arith.constant 0 : i32
    %broadcast_in_dim3A_83 = vector.broadcast %broadcast_in_dim3A_82 : i32 to vector<512x8xi32>
    %slice3A_84 = vector.extract_strided_slice %add3A_81 {offsets = [0, 0], sizes = [1536, 8], strides = [1, 1]} : vector<2048x8xi32> to vector<1536x8xi32>
    %concatenate3A_85 = tpu.concatenate %broadcast_in_dim3A_83, %slice3A_84 in 0 : vector<512x8xi32>, vector<1536x8xi32> -> vector<2048x8xi32>
    %add3A_86 = arith.addi %add3A_81, %concatenate3A_85 : vector<2048x8xi32>
    %broadcast_in_dim3A_87 = arith.constant 0 : i32
    %broadcast_in_dim3A_88 = vector.broadcast %broadcast_in_dim3A_87 : i32 to vector<1024x8xi32>
    %slice3A_89 = vector.extract_strided_slice %add3A_86 {offsets = [0, 0], sizes = [1024, 8], strides = [1, 1]} : vector<2048x8xi32> to vector<1024x8xi32>
    %concatenate3A_90 = tpu.concatenate %broadcast_in_dim3A_88, %slice3A_89 in 0 : vector<1024x8xi32>, vector<1024x8xi32> -> vector<2048x8xi32>
    %add3A_91 = arith.addi %add3A_86, %concatenate3A_90 : vector<2048x8xi32>
    %slice3A_92 = vector.extract_strided_slice %add3A_91 {offsets = [2047, 0], sizes = [1, 8], strides = [1, 1]} : vector<2048x8xi32> to vector<1x8xi32>
    %sub3A_93 = arith.subi %add3A_91, %add3A : vector<2048x8xi32>
    %add3A_94 = arith.constant 127 : i32
    %add3A_95 = vector.broadcast %add3A_94 : i32 to vector<1x8xi32>
    %add3A_96 = arith.addi %slice3A_92, %add3A_95 : vector<1x8xi32>
    %jit3A_97 = arith.constant 128 : i32
    %div3A_98 = vector.broadcast %jit3A_97 : i32 to vector<1x8xi32>
    %div3A_99 = arith.divsi %add3A_96, %div3A_98 : vector<1x8xi32>
    %sign3A = arith.constant 0 : i32
    %sign3A_100 = vector.broadcast %sign3A : i32 to vector<1x8xi32>
    %sign3A_101 = arith.cmpi sgt, %add3A_96, %sign3A_100 : vector<1x8xi32>
    %sign3A_102 = arith.extui %sign3A_101 : vector<1x8xi1> to vector<1x8xi32>
    %sign3A_103 = arith.constant 0 : i32
    %sign3A_104 = vector.broadcast %sign3A_103 : i32 to vector<1x8xi32>
    %sign3A_105 = arith.cmpi slt, %add3A_96, %sign3A_104 : vector<1x8xi32>
    %sign3A_106 = arith.extui %sign3A_105 : vector<1x8xi1> to vector<1x8xi32>
    %sign3A_107 = arith.subi %sign3A_102, %sign3A_106 : vector<1x8xi32>
    %sign3A_108 = arith.constant 0 : i32
    %sign3A_109 = arith.cmpi sgt, %jit3A_97, %sign3A_108 : i32
    %sign3A_110 = arith.extui %sign3A_109 : i1 to i32
    %sign3A_111 = arith.constant 0 : i32
    %sign3A_112 = arith.cmpi slt, %jit3A_97, %sign3A_111 : i32
    %sign3A_113 = arith.extui %sign3A_112 : i1 to i32
    %sign3A_114 = arith.subi %sign3A_110, %sign3A_113 : i32
    %ne3A = vector.broadcast %sign3A_114 : i32 to vector<1x8xi32>
    %ne3A_115 = arith.cmpi ne, %sign3A_107, %ne3A : vector<1x8xi32>
    %rem3A = vector.broadcast %jit3A_97 : i32 to vector<1x8xi32>
    %rem3A_116 = arith.remsi %add3A_96, %rem3A : vector<1x8xi32>
    %ne3A_117 = arith.constant 0 : i32
    %ne3A_118 = vector.broadcast %ne3A_117 : i32 to vector<1x8xi32>
    %ne3A_119 = arith.cmpi ne, %rem3A_116, %ne3A_118 : vector<1x8xi32>
    %and3A = arith.andi %ne3A_115, %ne3A_119 : vector<1x8xi1>
    %sub3A_120 = arith.constant 1 : i32
    %sub3A_121 = vector.broadcast %sub3A_120 : i32 to vector<1x8xi32>
    %sub3A_122 = arith.subi %div3A_99, %sub3A_121 : vector<1x8xi32>
    %select_n3A_123 = arith.select %and3A, %sub3A_122, %div3A_99 : vector<1x8xi1>, vector<1x8xi32>
    %broadcast_in_dim3A_124 = arith.constant 0 : i32
    %broadcast_in_dim3A_125 = vector.broadcast %broadcast_in_dim3A_124 : i32 to vector<1x1xi32>
    %slice3A_126 = vector.extract_strided_slice %select_n3A_123 {offsets = [0, 0], sizes = [1, 7], strides = [1, 1]} : vector<1x8xi32> to vector<1x7xi32>
    %concatenate3A_127 = tpu.concatenate %broadcast_in_dim3A_125, %slice3A_126 in 1 : vector<1x1xi32>, vector<1x7xi32> -> vector<1x8xi32>
    %add3A_128 = arith.addi %select_n3A_123, %concatenate3A_127 : vector<1x8xi32>
    %broadcast_in_dim3A_129 = arith.constant 0 : i32
    %broadcast_in_dim3A_130 = vector.broadcast %broadcast_in_dim3A_129 : i32 to vector<1x2xi32>
    %slice3A_131 = vector.extract_strided_slice %add3A_128 {offsets = [0, 0], sizes = [1, 6], strides = [1, 1]} : vector<1x8xi32> to vector<1x6xi32>
    %concatenate3A_132 = tpu.concatenate %broadcast_in_dim3A_130, %slice3A_131 in 1 : vector<1x2xi32>, vector<1x6xi32> -> vector<1x8xi32>
    %add3A_133 = arith.addi %add3A_128, %concatenate3A_132 : vector<1x8xi32>
    %broadcast_in_dim3A_134 = arith.constant 0 : i32
    %broadcast_in_dim3A_135 = vector.broadcast %broadcast_in_dim3A_134 : i32 to vector<1x4xi32>
    %slice3A_136 = vector.extract_strided_slice %add3A_133 {offsets = [0, 0], sizes = [1, 4], strides = [1, 1]} : vector<1x8xi32> to vector<1x4xi32>
    %concatenate3A_137 = tpu.concatenate %broadcast_in_dim3A_135, %slice3A_136 in 1 : vector<1x4xi32>, vector<1x4xi32> -> vector<1x8xi32>
    %add3A_138 = arith.addi %add3A_133, %concatenate3A_137 : vector<1x8xi32>
    %sub3A_139 = arith.subi %add3A_138, %select_n3A_123 : vector<1x8xi32>
    %mul3A = arith.constant 128 : i32
    %mul3A_140 = vector.broadcast %mul3A : i32 to vector<1x8xi32>
    %mul3A_141 = arith.muli %sub3A_139, %mul3A_140 : vector<1x8xi32>
    %add3A_142 = vector.broadcast %mul3A_141 : vector<1x8xi32> to vector<2048x8xi32>
    %add3A_143 = arith.addi %add3A_142, %sub3A_93 : vector<2048x8xi32>
    %jit3A_144 = arith.constant 0 : i32
    %broadcast_in_dim3A_145 = vector.broadcast %jit3A_144 : i32 to vector<2048x8xi32>
    %select_n3A_146 = arith.select %eq3A_35, %add3A_143, %broadcast_in_dim3A_145 : vector<2048x8xi1>, vector<2048x8xi32>
    %reduce_sum3A_147 = arith.constant dense<0> : vector<2048xi32>
    %reduce_sum3A_148 = vector.multi_reduction <add>, %select_n3A_146, %reduce_sum3A_147 [1] : vector<2048x8xi32> to vector<2048xi32>
    %broadcast_in_dim3A_149 = vector.shape_cast %reduce_sum3A_148 : vector<2048xi32> to vector<2048x1xi32>
    %add3A_150 = vector.broadcast %mul3A_141 : vector<1x8xi32> to vector<2048x8xi32>
    %add3A_151 = arith.addi %add3A_150, %sub3A_93 : vector<2048x8xi32>
    %jit3A_152 = arith.constant 0 : i32
    %broadcast_in_dim3A_153 = vector.broadcast %jit3A_152 : i32 to vector<2048x8xi32>
    %select_n3A_154 = arith.select %eq3A_37, %add3A_151, %broadcast_in_dim3A_153 : vector<2048x8xi1>, vector<2048x8xi32>
    %reduce_sum3A_155 = arith.constant dense<0> : vector<2048xi32>
    %reduce_sum3A_156 = vector.multi_reduction <add>, %select_n3A_154, %reduce_sum3A_155 [1] : vector<2048x8xi32> to vector<2048xi32>
    %broadcast_in_dim3A_157 = vector.shape_cast %reduce_sum3A_156 : vector<2048xi32> to vector<2048x1xi32>
    %iota3A_158 = tpu.iota {dimensions = array<i32: 0>} : vector<40x1xi32>
    %ge3A = vector.broadcast %iota3A_158 : vector<40x1xi32> to vector<40x8xi32>
    %ge3A_159 = vector.broadcast %sub3A_139 : vector<1x8xi32> to vector<40x8xi32>
    %ge3A_160 = arith.cmpi sge, %ge3A, %ge3A_159 : vector<40x8xi32>
    %convert_element_type3A_161 = arith.extui %ge3A_160 : vector<40x8xi1> to vector<40x8xi32>
    %reduce_sum3A_162 = arith.constant dense<0> : vector<40xi32>
    %reduce_sum3A_163 = vector.multi_reduction <add>, %convert_element_type3A_161, %reduce_sum3A_162 [1] : vector<40x8xi32> to vector<40xi32>
    %broadcast_in_dim3A_164 = vector.shape_cast %reduce_sum3A_163 : vector<40xi32> to vector<40x1xi32>
    %sub3A_165 = arith.constant 1 : i32
    %sub3A_166 = vector.broadcast %sub3A_165 : i32 to vector<40x1xi32>
    %sub3A_167 = arith.subi %broadcast_in_dim3A_164, %sub3A_166 : vector<40x1xi32>
    %swap3A = arith.constant 0 : index
    %swap3A_168 = arith.constant 0 : index
    %swap3A_169 = vector.load %arg4[%swap3A, %swap3A_168] : memref<40x1xi32, #tpu.memory_space<vmem>>, vector<40x1xi32>
    tpu.vector_store %arg4[%swap3A, %swap3A_168], %sub3A_167 {strides = array<i32>} : memref<40x1xi32, #tpu.memory_space<vmem>>, vector<40x1xi32>,
    %iota3A_170 = tpu.iota {dimensions = array<i32: 0>} : vector<2048x1xi32>
    %convert_element_type3A_171 = arith.sitofp %iota3A_170 : vector<2048x1xi32> to vector<2048x1xf32>
    %iota3A_172 = tpu.iota {dimensions = array<i32: 1>} : vector<1x128xi32>
    %scan3A = arith.constant 0 : i32
    %scan3A_173 = arith.constant 40 : i32
    %scan3A_174 = arith.addi %scan3A, %scan3A_173 : i32
    %scan3A_175 = arith.constant 1 : i32
    scf.for %scan3A_177 = %scan3A to %scan3A_174 step %scan3A_175  : i32 {
      %mul3A_178 = arith.constant 128 : i32
      %mul3A_179 = arith.muli %scan3A_177, %mul3A_178 : i32
      %add3A_180 = vector.broadcast %mul3A_179 : i32 to vector<1x128xi32>
      %add3A_181 = arith.addi %add3A_180, %iota3A_172 : vector<1x128xi32>
      %eq3A_182 = vector.broadcast %broadcast_in_dim3A_149 : vector<2048x1xi32> to vector<2048x128xi32>
      %eq3A_183 = vector.broadcast %add3A_181 : vector<1x128xi32> to vector<2048x128xi32>
      %eq3A_184 = arith.cmpi eq, %eq3A_182, %eq3A_183 : vector<2048x128xi32>
      %convert_element_type3A_185 = arith.extui %eq3A_184 : vector<2048x128xi1> to vector<2048x128xi32>
      %convert_element_type3A_186 = arith.sitofp %convert_element_type3A_185 : vector<2048x128xi32> to vector<2048x128xf32>
      %eq3A_187 = vector.broadcast %broadcast_in_dim3A_157 : vector<2048x1xi32> to vector<2048x128xi32>
      %eq3A_188 = vector.broadcast %add3A_181 : vector<1x128xi32> to vector<2048x128xi32>
      %eq3A_189 = arith.cmpi eq, %eq3A_187, %eq3A_188 : vector<2048x128xi32>
      %convert_element_type3A_190 = arith.extui %eq3A_189 : vector<2048x128xi1> to vector<2048x128xi32>
      %convert_element_type3A_191 = arith.sitofp %convert_element_type3A_190 : vector<2048x128xi32> to vector<2048x128xf32>
      %add3A_192 = arith.addf %convert_element_type3A_186, %convert_element_type3A_191 : vector<2048x128xf32>
      %mul3A_193 = vector.broadcast %convert_element_type3A_171 : vector<2048x1xf32> to vector<2048x128xf32>
      %mul3A_194 = arith.mulf %add3A_192, %mul3A_193 : vector<2048x128xf32>
      %reduce_sum3A_195 = arith.constant dense<0.000000e+00> : vector<128xf32>
      %reduce_sum3A_196 = vector.multi_reduction <add>, %mul3A_194, %reduce_sum3A_195 [0] : vector<2048x128xf32> to vector<128xf32>
      %broadcast_in_dim3A_197 = vector.shape_cast %reduce_sum3A_196 : vector<128xf32> to vector<1x128xf32>
      %mul3A_198 = vector.broadcast %broadcast_in_dim3A_13 : vector<2048x1xf32> to vector<2048x128xf32>
      %mul3A_199 = arith.mulf %convert_element_type3A_186, %mul3A_198 : vector<2048x128xf32>
      %mul3A_200 = vector.broadcast %broadcast_in_dim3A_25 : vector<2048x1xf32> to vector<2048x128xf32>
      %mul3A_201 = arith.mulf %convert_element_type3A_191, %mul3A_200 : vector<2048x128xf32>
      %add3A_202 = arith.addf %mul3A_199, %mul3A_201 : vector<2048x128xf32>
      %reduce_sum3A_203 = arith.constant dense<0.000000e+00> : vector<128xf32>
      %reduce_sum3A_204 = vector.multi_reduction <add>, %add3A_202, %reduce_sum3A_203 [0] : vector<2048x128xf32> to vector<128xf32>
      %broadcast_in_dim3A_205 = vector.shape_cast %reduce_sum3A_204 : vector<128xf32> to vector<1x128xf32>
      %convert_element_type3A_206 = arith.fptosi %broadcast_in_dim3A_197 : vector<1x128xf32> to vector<1x128xi32>
      %swap3A_207 = arith.index_cast %scan3A_177 : i32 to index
      %swap3A_208 = arith.constant 0 : index
      %swap3A_209 = vector.load %arg2[%swap3A_207, %swap3A_208] : memref<40x128xi32, #tpu.memory_space<vmem>>, vector<1x128xi32>
      tpu.vector_store %arg2[%swap3A_207, %swap3A_208], %convert_element_type3A_206 {strides = array<i32>} : memref<40x128xi32, #tpu.memory_space<vmem>>, vector<1x128xi32>,
      %swap3A_210 = arith.index_cast %scan3A_177 : i32 to index
      %swap3A_211 = arith.constant 0 : index
      %swap3A_212 = vector.load %arg3[%swap3A_210, %swap3A_211] : memref<40x128xf32, #tpu.memory_space<vmem>>, vector<1x128xf32>
      tpu.vector_store %arg3[%swap3A_210, %swap3A_211], %broadcast_in_dim3A_205 {strides = array<i32>} : memref<40x128xf32, #tpu.memory_space<vmem>>, vector<1x128xf32>,
    }
    %scan3A_176 = arith.constant 40 : i32
    return
  }
}

module attributes {stable_mosaic.version = 14 : i64} {
  func.func @_shared_expert_kernel(%arg0: i32, %arg1: memref<256x2048xbf16, #tpu.memory_space<vmem>>, %arg2: memref<2048x2048xbf16, #tpu.memory_space<vmem>>, %arg3: memref<2048x2048xbf16, #tpu.memory_space<vmem>>, %arg4: memref<2048x2048xbf16, #tpu.memory_space<vmem>>, %arg5: memref<256x2048xf32, #tpu.memory_space<vmem>>) attributes {dimension_semantics = [#tpu.dimension_semantics<arbitrary>], iteration_bounds = array<i64: 8>, scalar_prefetch = 0 : i64, scratch_operands = 0 : i64, tpu.core_type = #tpu.core_type<tc>, window_params = [{transform_indices = @transform_0, window_bounds = array<i64: 256, 2048>}, {pipeline_mode = #tpu.pipeline_mode<synchronous>, transform_indices = @transform_1, window_bounds = array<i64: 2048, 2048>}, {pipeline_mode = #tpu.pipeline_mode<synchronous>, transform_indices = @transform_2, window_bounds = array<i64: 2048, 2048>}, {pipeline_mode = #tpu.pipeline_mode<synchronous>, transform_indices = @transform_3, window_bounds = array<i64: 2048, 2048>}, {transform_indices = @transform_4, window_bounds = array<i64: 256, 2048>}]} {
    %get3A = arith.constant 0 : index
    %get3A_0 = arith.constant 0 : index
    %get3A_1 = vector.load %arg1[%get3A, %get3A_0] : memref<256x2048xbf16, #tpu.memory_space<vmem>>, vector<256x2048xbf16>
    %get3A_2 = arith.constant 0 : index
    %get3A_3 = arith.constant 0 : index
    %get3A_4 = vector.load %arg2[%get3A_2, %get3A_3] : memref<2048x2048xbf16, #tpu.memory_space<vmem>>, vector<2048x2048xbf16>
    %dot_general3A = arith.constant dense<0.000000e+00> : vector<256x2048xf32>
    %dot_general3A_5 = tpu.matmul %get3A_1, %get3A_4, %dot_general3A {dimension_numbers = #tpu.dot_dimension_numbers<[1], [0], [0], [1], [0, 0, 1, 1], [], []>, transpose_lhs_hint = false} : vector<256x2048xbf16>, vector<2048x2048xbf16>, vector<256x2048xf32> -> vector<256x2048xf32>
    %get3A_6 = arith.constant 0 : index
    %get3A_7 = arith.constant 0 : index
    %get3A_8 = vector.load %arg3[%get3A_6, %get3A_7] : memref<2048x2048xbf16, #tpu.memory_space<vmem>>, vector<2048x2048xbf16>
    %dot_general3A_9 = arith.constant dense<0.000000e+00> : vector<256x2048xf32>
    %dot_general3A_10 = tpu.matmul %get3A_1, %get3A_8, %dot_general3A_9 {dimension_numbers = #tpu.dot_dimension_numbers<[1], [0], [0], [1], [0, 0, 1, 1], [], []>, transpose_lhs_hint = false} : vector<256x2048xbf16>, vector<2048x2048xbf16>, vector<256x2048xf32> -> vector<256x2048xf32>
    %logistic3A = arith.negf %dot_general3A_5 : vector<256x2048xf32>
    %logistic3A_11 = math.exp %logistic3A : vector<256x2048xf32>
    %logistic3A_12 = arith.constant 1.000000e+00 : f32
    %logistic3A_13 = vector.broadcast %logistic3A_12 : f32 to vector<256x2048xf32>
    %logistic3A_14 = arith.addf %logistic3A_13, %logistic3A_11 : vector<256x2048xf32>
    %logistic3A_15 = arith.divf %logistic3A_13, %logistic3A_14 : vector<256x2048xf32>
    %mul3A = arith.mulf %dot_general3A_5, %logistic3A_15 : vector<256x2048xf32>
    %mul3A_16 = arith.mulf %mul3A, %dot_general3A_10 : vector<256x2048xf32>
    %convert_element_type3A = arith.truncf %mul3A_16 : vector<256x2048xf32> to vector<256x2048xbf16>
    %get3A_17 = arith.constant 0 : index
    %get3A_18 = arith.constant 0 : index
    %get3A_19 = vector.load %arg4[%get3A_17, %get3A_18] : memref<2048x2048xbf16, #tpu.memory_space<vmem>>, vector<2048x2048xbf16>
    %dot_general3A_20 = arith.constant dense<0.000000e+00> : vector<256x2048xf32>
    %dot_general3A_21 = tpu.matmul %convert_element_type3A, %get3A_19, %dot_general3A_20 {dimension_numbers = #tpu.dot_dimension_numbers<[1], [0], [0], [1], [0, 0, 1, 1], [], []>, transpose_lhs_hint = false} : vector<256x2048xbf16>, vector<2048x2048xbf16>, vector<256x2048xf32> -> vector<256x2048xf32>
    %swap3A = arith.constant 0 : index
    %swap3A_22 = arith.constant 0 : index
    %swap3A_23 = vector.load %arg5[%swap3A, %swap3A_22] : memref<256x2048xf32, #tpu.memory_space<vmem>>, vector<256x2048xf32>
    tpu.vector_store %arg5[%swap3A, %swap3A_22], %dot_general3A_21 {strides = array<i32>} : memref<256x2048xf32, #tpu.memory_space<vmem>>, vector<256x2048xf32>,
    return
  }
  func.func @transform_0(%arg0: i32) -> (i32, i32) {
    %c0_i32 = arith.constant 0 : i32
    %c0_i32_0 = arith.constant 0 : i32
    return %arg0, %c0_i32 : i32, i32
  }
  func.func @transform_1(%arg0: i32) -> (i32, i32) {
    %c0_i32 = arith.constant 0 : i32
    %c0_i32_0 = arith.constant 0 : i32
    %c0_i32_1 = arith.constant 0 : i32
    return %c0_i32, %c0_i32_0 : i32, i32
  }
  func.func @transform_2(%arg0: i32) -> (i32, i32) {
    %c0_i32 = arith.constant 0 : i32
    %c0_i32_0 = arith.constant 0 : i32
    %c0_i32_1 = arith.constant 0 : i32
    return %c0_i32, %c0_i32_0 : i32, i32
  }
  func.func @transform_3(%arg0: i32) -> (i32, i32) {
    %c0_i32 = arith.constant 0 : i32
    %c0_i32_0 = arith.constant 0 : i32
    %c0_i32_1 = arith.constant 0 : i32
    return %c0_i32, %c0_i32_0 : i32, i32
  }
  func.func @transform_4(%arg0: i32) -> (i32, i32) {
    %c0_i32 = arith.constant 0 : i32
    %c0_i32_0 = arith.constant 0 : i32
    return %arg0, %c0_i32 : i32, i32
  }
}

module attributes {stable_mosaic.version = 14 : i64} {
  func.func @_grouped_ffn_kernel(%arg0: i32, %arg1: memref<40xi32, #tpu.memory_space<smem>>, %arg2: memref<128x2048xbf16, #tpu.memory_space<vmem>>, %arg3: memref<1x2048x1024xbf16, #tpu.memory_space<vmem>>, %arg4: memref<1x2048x1024xbf16, #tpu.memory_space<vmem>>, %arg5: memref<1x1024x2048xbf16, #tpu.memory_space<vmem>>, %arg6: memref<128x2048xbf16, #tpu.memory_space<vmem>>) attributes {dimension_semantics = [#tpu.dimension_semantics<arbitrary>], iteration_bounds = array<i64: 40>, scalar_prefetch = 1 : i64, scratch_operands = 0 : i64, tpu.core_type = #tpu.core_type<tc>, window_params = [{transform_indices = @transform_0, window_bounds = array<i64: 128, 2048>}, {transform_indices = @transform_1, window_bounds = array<i64: 1, 2048, 1024>}, {transform_indices = @transform_2, window_bounds = array<i64: 1, 2048, 1024>}, {transform_indices = @transform_3, window_bounds = array<i64: 1, 1024, 2048>}, {transform_indices = @transform_4, window_bounds = array<i64: 128, 2048>}]} {
    %get3A = arith.constant 0 : index
    %get3A_0 = arith.constant 0 : index
    %get3A_1 = vector.load %arg2[%get3A, %get3A_0] : memref<128x2048xbf16, #tpu.memory_space<vmem>>, vector<128x2048xbf16>
    %get3A_2 = arith.constant 0 : index
    %get3A_3 = arith.constant 0 : index
    %get3A_4 = arith.constant 0 : index
    %get3A_5 = vector.load %arg3[%get3A_2, %get3A_3, %get3A_4] : memref<1x2048x1024xbf16, #tpu.memory_space<vmem>>, vector<1x2048x1024xbf16>
    %get3A_6 = vector.shape_cast %get3A_5 : vector<1x2048x1024xbf16> to vector<2048x1024xbf16>
    %dot_general3A = arith.constant dense<0.000000e+00> : vector<128x1024xf32>
    %dot_general3A_7 = tpu.matmul %get3A_1, %get3A_6, %dot_general3A {dimension_numbers = #tpu.dot_dimension_numbers<[1], [0], [0], [1], [0, 0, 1, 1], [], []>, transpose_lhs_hint = false} : vector<128x2048xbf16>, vector<2048x1024xbf16>, vector<128x1024xf32> -> vector<128x1024xf32>
    %get3A_8 = arith.constant 0 : index
    %get3A_9 = arith.constant 0 : index
    %get3A_10 = arith.constant 0 : index
    %get3A_11 = vector.load %arg4[%get3A_8, %get3A_9, %get3A_10] : memref<1x2048x1024xbf16, #tpu.memory_space<vmem>>, vector<1x2048x1024xbf16>
    %get3A_12 = vector.shape_cast %get3A_11 : vector<1x2048x1024xbf16> to vector<2048x1024xbf16>
    %dot_general3A_13 = arith.constant dense<0.000000e+00> : vector<128x1024xf32>
    %dot_general3A_14 = tpu.matmul %get3A_1, %get3A_12, %dot_general3A_13 {dimension_numbers = #tpu.dot_dimension_numbers<[1], [0], [0], [1], [0, 0, 1, 1], [], []>, transpose_lhs_hint = false} : vector<128x2048xbf16>, vector<2048x1024xbf16>, vector<128x1024xf32> -> vector<128x1024xf32>
    %logistic3A = arith.negf %dot_general3A_7 : vector<128x1024xf32>
    %logistic3A_15 = math.exp %logistic3A : vector<128x1024xf32>
    %logistic3A_16 = arith.constant 1.000000e+00 : f32
    %logistic3A_17 = vector.broadcast %logistic3A_16 : f32 to vector<128x1024xf32>
    %logistic3A_18 = arith.addf %logistic3A_17, %logistic3A_15 : vector<128x1024xf32>
    %logistic3A_19 = arith.divf %logistic3A_17, %logistic3A_18 : vector<128x1024xf32>
    %mul3A = arith.mulf %dot_general3A_7, %logistic3A_19 : vector<128x1024xf32>
    %mul3A_20 = arith.mulf %mul3A, %dot_general3A_14 : vector<128x1024xf32>
    %convert_element_type3A = arith.truncf %mul3A_20 : vector<128x1024xf32> to vector<128x1024xbf16>
    %get3A_21 = arith.constant 0 : index
    %get3A_22 = arith.constant 0 : index
    %get3A_23 = arith.constant 0 : index
    %get3A_24 = vector.load %arg5[%get3A_21, %get3A_22, %get3A_23] : memref<1x1024x2048xbf16, #tpu.memory_space<vmem>>, vector<1x1024x2048xbf16>
    %get3A_25 = vector.shape_cast %get3A_24 : vector<1x1024x2048xbf16> to vector<1024x2048xbf16>
    %dot_general3A_26 = arith.constant dense<0.000000e+00> : vector<128x2048xf32>
    %dot_general3A_27 = tpu.matmul %convert_element_type3A, %get3A_25, %dot_general3A_26 {dimension_numbers = #tpu.dot_dimension_numbers<[1], [0], [0], [1], [0, 0, 1, 1], [], []>, transpose_lhs_hint = false} : vector<128x1024xbf16>, vector<1024x2048xbf16>, vector<128x2048xf32> -> vector<128x2048xf32>
    %convert_element_type3A_28 = arith.truncf %dot_general3A_27 : vector<128x2048xf32> to vector<128x2048xbf16>
    %swap3A = arith.constant 0 : index
    %swap3A_29 = arith.constant 0 : index
    %swap3A_30 = vector.load %arg6[%swap3A, %swap3A_29] : memref<128x2048xbf16, #tpu.memory_space<vmem>>, vector<128x2048xbf16>
    tpu.vector_store %arg6[%swap3A, %swap3A_29], %convert_element_type3A_28 {strides = array<i32>} : memref<128x2048xbf16, #tpu.memory_space<vmem>>, vector<128x2048xbf16>,
    return
  }
  func.func @transform_0(%arg0: i32, %arg1: memref<40xi32, #tpu.memory_space<smem>>) -> (i32, i32) {
    %c0_i32 = arith.constant 0 : i32
    %c0_i32_0 = arith.constant 0 : i32
    return %arg0, %c0_i32 : i32, i32
  }
  func.func @transform_1(%arg0: i32, %arg1: memref<40xi32, #tpu.memory_space<smem>>) -> (i32, i32, i32) {
    %get3A = arith.index_cast %arg0 : i32 to index
    %get3A_0 = memref.load %arg1[%get3A] : memref<40xi32, #tpu.memory_space<smem>>
    %c0_i32 = arith.constant 0 : i32
    %c0_i32_1 = arith.constant 0 : i32
    %c0_i32_2 = arith.constant 0 : i32
    return %get3A_0, %c0_i32, %c0_i32_1 : i32, i32, i32
  }
  func.func @transform_2(%arg0: i32, %arg1: memref<40xi32, #tpu.memory_space<smem>>) -> (i32, i32, i32) {
    %get3A = arith.index_cast %arg0 : i32 to index
    %get3A_0 = memref.load %arg1[%get3A] : memref<40xi32, #tpu.memory_space<smem>>
    %c0_i32 = arith.constant 0 : i32
    %c0_i32_1 = arith.constant 0 : i32
    %c0_i32_2 = arith.constant 0 : i32
    return %get3A_0, %c0_i32, %c0_i32_1 : i32, i32, i32
  }
  func.func @transform_3(%arg0: i32, %arg1: memref<40xi32, #tpu.memory_space<smem>>) -> (i32, i32, i32) {
    %get3A = arith.index_cast %arg0 : i32 to index
    %get3A_0 = memref.load %arg1[%get3A] : memref<40xi32, #tpu.memory_space<smem>>
    %c0_i32 = arith.constant 0 : i32
    %c0_i32_1 = arith.constant 0 : i32
    %c0_i32_2 = arith.constant 0 : i32
    return %get3A_0, %c0_i32, %c0_i32_1 : i32, i32, i32
  }
  func.func @transform_4(%arg0: i32, %arg1: memref<40xi32, #tpu.memory_space<smem>>) -> (i32, i32) {
    %c0_i32 = arith.constant 0 : i32
    %c0_i32_0 = arith.constant 0 : i32
    return %arg0, %c0_i32 : i32, i32
  }
}

module attributes {stable_mosaic.version = 14 : i64} {
  func.func @_combine_kernel(%arg0: i32, %arg1: i32, %arg2: memref<1x1x1280xi32, #tpu.memory_space<vmem>>, %arg3: memref<1x1x1280xf32, #tpu.memory_space<vmem>>, %arg4: memref<1280x2048xbf16, #tpu.memory_space<vmem>>, %arg5: memref<256x2048xf32, #tpu.memory_space<vmem>>, %arg6: memref<256x2048xf32, #tpu.memory_space<vmem>>) attributes {dimension_semantics = [#tpu.dimension_semantics<arbitrary>, #tpu.dimension_semantics<arbitrary>], iteration_bounds = array<i64: 8, 4>, scalar_prefetch = 0 : i64, scratch_operands = 0 : i64, tpu.core_type = #tpu.core_type<tc>, window_params = [{transform_indices = @transform_0, window_bounds = array<i64: 1, 1, 1280>}, {transform_indices = @transform_1, window_bounds = array<i64: 1, 1, 1280>}, {transform_indices = @transform_2, window_bounds = array<i64: 1280, 2048>}, {transform_indices = @transform_3, window_bounds = array<i64: 256, 2048>}, {transform_indices = @transform_4, window_bounds = array<i64: 256, 2048>}]} {
    %get3A = arith.constant 0 : index
    %get3A_0 = arith.constant 0 : index
    %get3A_1 = arith.constant 0 : index
    %get3A_2 = vector.load %arg2[%get3A, %get3A_0, %get3A_1] : memref<1x1x1280xi32, #tpu.memory_space<vmem>>, vector<1x1x1280xi32>
    %get3A_3 = vector.shape_cast %get3A_2 : vector<1x1x1280xi32> to vector<1x1280xi32>
    %get3A_4 = arith.constant 0 : index
    %get3A_5 = arith.constant 0 : index
    %get3A_6 = arith.constant 0 : index
    %get3A_7 = vector.load %arg3[%get3A_4, %get3A_5, %get3A_6] : memref<1x1x1280xf32, #tpu.memory_space<vmem>>, vector<1x1x1280xf32>
    %get3A_8 = vector.shape_cast %get3A_7 : vector<1x1x1280xf32> to vector<1x1280xf32>
    %mul3A = arith.constant 256 : i32
    %mul3A_9 = arith.muli %arg0, %mul3A : i32
    %iota3A = tpu.iota {dimensions = array<i32: 0>} : vector<256x1xi32>
    %add3A = vector.broadcast %mul3A_9 : i32 to vector<256x1xi32>
    %add3A_10 = arith.addi %add3A, %iota3A : vector<256x1xi32>
    %eq3A = vector.broadcast %add3A_10 : vector<256x1xi32> to vector<256x1280xi32>
    %eq3A_11 = vector.broadcast %get3A_3 : vector<1x1280xi32> to vector<256x1280xi32>
    %eq3A_12 = arith.cmpi eq, %eq3A, %eq3A_11 : vector<256x1280xi32>
    %jit3A = arith.constant 0.000000e+00 : f32
    %broadcast_in_dim3A = vector.shape_cast %get3A_8 : vector<1x1280xf32> to vector<1x1280xf32>
    %broadcast_in_dim3A_13 = vector.broadcast %broadcast_in_dim3A : vector<1x1280xf32> to vector<256x1280xf32>
    %broadcast_in_dim3A_14 = vector.broadcast %jit3A : f32 to vector<256x1280xf32>
    %select_n3A = arith.select %eq3A_12, %broadcast_in_dim3A_13, %broadcast_in_dim3A_14 : vector<256x1280xi1>, vector<256x1280xf32>
    %convert_element_type3A = arith.truncf %select_n3A : vector<256x1280xf32> to vector<256x1280xbf16>
    %get3A_15 = arith.constant 0 : index
    %get3A_16 = arith.constant 0 : index
    %get3A_17 = vector.load %arg4[%get3A_15, %get3A_16] : memref<1280x2048xbf16, #tpu.memory_space<vmem>>, vector<1280x2048xbf16>
    %dot_general3A = arith.constant dense<0.000000e+00> : vector<256x2048xf32>
    %dot_general3A_18 = tpu.matmul %convert_element_type3A, %get3A_17, %dot_general3A {dimension_numbers = #tpu.dot_dimension_numbers<[1], [0], [0], [1], [0, 0, 1, 1], [], []>, transpose_lhs_hint = false} : vector<256x1280xbf16>, vector<1280x2048xbf16>, vector<256x2048xf32> -> vector<256x2048xf32>
    %eq3A_19 = arith.constant 0 : i32
    %eq3A_20 = arith.cmpi eq, %arg1, %eq3A_19 : i32
    %convert_element_type3A_21 = arith.extui %eq3A_20 : i1 to i32
    %cond3A = arith.constant 0 : i32
    %cond3A_22 = arith.cmpi ne, %convert_element_type3A_21, %cond3A : i32
    scf.if %cond3A_22 {
      %get3A_27 = arith.constant 0 : index
      %get3A_28 = arith.constant 0 : index
      %get3A_29 = vector.load %arg5[%get3A_27, %get3A_28] : memref<256x2048xf32, #tpu.memory_space<vmem>>, vector<256x2048xf32>
      %add3A_30 = arith.addf %get3A_29, %dot_general3A_18 : vector<256x2048xf32>
      %swap3A = arith.constant 0 : index
      %swap3A_31 = arith.constant 0 : index
      %swap3A_32 = vector.load %arg6[%swap3A, %swap3A_31] : memref<256x2048xf32, #tpu.memory_space<vmem>>, vector<256x2048xf32>
      tpu.vector_store %arg6[%swap3A, %swap3A_31], %add3A_30 {strides = array<i32>} : memref<256x2048xf32, #tpu.memory_space<vmem>>, vector<256x2048xf32>,
    } else {
    }
    %gt3A = arith.constant 0 : i32
    %gt3A_23 = arith.cmpi sgt, %arg1, %gt3A : i32
    %convert_element_type3A_24 = arith.extui %gt3A_23 : i1 to i32
    %cond3A_25 = arith.constant 0 : i32
    %cond3A_26 = arith.cmpi ne, %convert_element_type3A_24, %cond3A_25 : i32
    scf.if %cond3A_26 {
      %get3A_27 = arith.constant 0 : index
      %get3A_28 = arith.constant 0 : index
      %get3A_29 = vector.load %arg6[%get3A_27, %get3A_28] : memref<256x2048xf32, #tpu.memory_space<vmem>>, vector<256x2048xf32>
      %add3A_30 = arith.addf %get3A_29, %dot_general3A_18 : vector<256x2048xf32>
      %swap3A = arith.constant 0 : index
      %swap3A_31 = arith.constant 0 : index
      %swap3A_32 = vector.load %arg6[%swap3A, %swap3A_31] : memref<256x2048xf32, #tpu.memory_space<vmem>>, vector<256x2048xf32>
      tpu.vector_store %arg6[%swap3A, %swap3A_31], %add3A_30 {strides = array<i32>} : memref<256x2048xf32, #tpu.memory_space<vmem>>, vector<256x2048xf32>,
    } else {
    }
    return
  }
  func.func @transform_0(%arg0: i32, %arg1: i32) -> (i32, i32, i32) {
    %c0_i32 = arith.constant 0 : i32
    %c0_i32_0 = arith.constant 0 : i32
    %c0_i32_1 = arith.constant 0 : i32
    return %arg1, %c0_i32, %c0_i32_0 : i32, i32, i32
  }
  func.func @transform_1(%arg0: i32, %arg1: i32) -> (i32, i32, i32) {
    %c0_i32 = arith.constant 0 : i32
    %c0_i32_0 = arith.constant 0 : i32
    %c0_i32_1 = arith.constant 0 : i32
    return %arg1, %c0_i32, %c0_i32_0 : i32, i32, i32
  }
  func.func @transform_2(%arg0: i32, %arg1: i32) -> (i32, i32) {
    %c0_i32 = arith.constant 0 : i32
    %c0_i32_0 = arith.constant 0 : i32
    return %arg1, %c0_i32 : i32, i32
  }
  func.func @transform_3(%arg0: i32, %arg1: i32) -> (i32, i32) {
    %c0_i32 = arith.constant 0 : i32
    %c0_i32_0 = arith.constant 0 : i32
    return %arg0, %c0_i32 : i32, i32
  }
  func.func @transform_4(%arg0: i32, %arg1: i32) -> (i32, i32) {
    %c0_i32 = arith.constant 0 : i32
    %c0_i32_0 = arith.constant 0 : i32
    return %arg0, %c0_i32 : i32, i32
  }
}

</mosaic_0001>

<sc_bundles>
// kernel: kernel.7.cloned.1.call-start
scs
__scs_entry_jumppad:
0x0: {  	(pc) =	sbr.rel $0x88, $3  }
0x1: {  	(tag) =	ssettag $0x0;
	lr =	simm.s32 $0x1  }
0x2: {  	[smem:$0x3F99] =	sst lr;
	_ =	strace $0xD0000000  }
0x3: {  	_ = 	snop  }
0x4: {  	_ = 	snop  }
0x5: {  	_ = 	snop  }
0x6: {  	_ = 	snop  }
0x7: {  	_ = 	snop  }
__scs_overlays_trampoline_lowered:
0x8: {  	[smem:$0x3FA8] =	sst s0  }
0x9: {  	[smem:$0x3FA9] =	sst s1  }
0xa: {  	[smem:$0x3FAA] =	sst s2  }
0xb: {  	[smem:$0x3FAB] =	sst s3  }
0xc: {  	[smem:$0x3FAC] =	sst s4  }
0xd: {  	[smem:$0x3FAD] =	sst s5  }
0xe: {  	[smem:$0x3FAE] =	sst s6  }
0xf: {  	[smem:$0x3FAF] =	sst s7  }
0x10: {  	[smem:$0x3FB0] =	sst s8  }
0x11: {  	[smem:$0x3FB1] =	sst s9;
	s0 =	simm.s32 @!p0 $0x0  }
0x12: {  	s1 =	sld [smem:$0x3F97];
	s0 =	simm.s32 @p0 $0x1  }
0x13: {  	[smem:$0x3FB2] =	sst s0;
	s0 =	simm.s32 @!p1 $0x0  }
0x14: {  	s2 =	sld [smem:$0x3F96];
	s0 =	simm.s32 @p1 $0x1  }
0x15: {  	[smem:$0x3FB3] =	sst s0;
	s0 =	simm.s32 @!p2 $0x0  }
0x16: {  	s3 =	sld [smem:$0x3FDB];
	s0 =	simm.s32 @p2 $0x1  }
0x17: {  	s4 =	simm.s32 $0x1BF5;
	[smem:$0x3FB5] =	sst s0  }
0x18: {  	s0 =	sld [smem:$0x3F98];
	_ =	swait.ge [sflag:s4], $0x0  }
0x19: {  	s7 =	sld [smem:$0x3F99]  }
0x1a: {  	s8 =	sadd.s32 $0xFFFFE003, lr  }
0x1b: {  	s9 =	sadd.s32 $0xFFFFFEF7, lr;
	s5 =	simm.s32 $0xFFFFFFFF;
	p2 =	slt.u32 s8, $0xFFFFF086  }
0x1c: {  	p1 =	slt.u32 s9, $0xF7A;
	s5 =	simm.s32 @!p2 $0x0  }
0x1d: {  	s5 =	simm.s32 @p1 $0x1;
	p0 =	seq.s32 s7, s2  }
0x1e: {  	s7 =	smul.u32 @!p0 $0xF7A, s2;
	p2 =	seq.s32 @!p0 s5, $0x0  }
0x1f: {  	s9 =	smul.u32 $0xF7A, s1;
	s8 =	simm.s32 @!p0 $0x1BF5;
	p2 =	por !p2, p0  }
0x20: {  	[sflag:s8] =	ssyncset.s32 @!p0 $0xFFFFF086;
	s6 =	sadd.s32 @!p0 s3, s7;
	s7 =	simm.s32 @!p0 $0x108  }
0x21: {  	s3 =	sadd.s32 s3, s9;
	s6 =	sadd.s32 @!p0 $0x88, s6;
	s7 =	simm.s32 @p2 $0x1082  }
0x22: {  	[simem:s7], [sflag:s8] =	dma.local @!p0 [hbm:s6], $0xF7A  }
0x23: {  	s9 =	sor.u32 $0xD0000000, s2;
	s6 =	simm.s32 $0x108;
	_ =	swait.ge @!p0 [sflag:s8], $0x0  }
0x24: {  	s3 =	sadd.s32 $0x88, s3;
	s6 =	simm.s32 @!p1 $0x1082;
	[sflag:s4] =	ssyncset.s32 $0xFFFFF086  }
0x25: {  	[simem:s6], [sflag:s4] =	dma.local [hbm:s3], $0xF7A  }
0x26: {  	[smem:$0x3F99] =	sst s1;
	(tag) =	ssettag s2;
	_ =	strace s9  }
0x27: {  	s1 =	sld [smem:$0x3FA9]  }
0x28: {  	s2 =	sld [smem:$0x3FAA]  }
0x29: {  	s4 =	sld [smem:$0x3FAC]  }
0x2a: {  	p0 =	seq.s32 s5, $0x0;
	s5 =	sld [smem:$0x3FAD]  }
0x2b: {  	s6 =	sld [smem:$0x3FAE]  }
0x2c: {  	s7 =	sld [smem:$0x3FAF]  }
0x2d: {  	s3 =	simm.s32 $0x108;
	s8 =	sld [smem:$0x3FB0]  }
0x2e: {  	s3 =	simm.s32 @!p0 $0x1082;
	s9 =	sld [smem:$0x3FB1]  }
0x2f: {  	lr =	sadd.s32 s0, s3;
	s0 =	sld [smem:$0x3FA8]  }
0x30: {  	s3 =	sld [smem:$0x3FAB]  }
0x31: {  	[smem:$0x3FB4] =	sst s10  }
0x32: {  	s10 =	sld [smem:$0x3FB2];
	_ =	sdelay $0x3  }
0x33: {  	p0 =	seq.s32 s10, $0x1;
	s10 =	sld [smem:$0x3FB4];
	_ =	sdelay $0x3  }
0x34: {  	[smem:$0x3FB4] =	sst s10  }
0x35: {  	s10 =	sld [smem:$0x3FB3];
	_ =	sdelay $0x3  }
0x36: {  	p1 =	seq.s32 s10, $0x1;
	s10 =	sld [smem:$0x3FB4];
	_ =	sdelay $0x3  }
0x37: {  	[smem:$0x3FB4] =	sst s10  }
0x38: {  	s10 =	sld [smem:$0x3FB5]  }
0x39: {  	_ = 	snop;
	(pc) =	sbr.ind lr, $3  }
0x3a: {  	_ = 	snop  }
0x3b: {  	_ = 	snop  }
0x3c: {  	p2 =	seq.s32 s10, $0x1;
	s10 =	sld [smem:$0x3FB4]  }
0x3d: {  	_ =	shalt  }
0x3e: {  	_ =	shalt  }
0x3f: {  	_ =	shalt  }
0x40: {  	_ =	shalt  }
0x41: {  	_ =	shalt  }
0x42: {  	_ =	shalt  }
0x43: {  	_ =	shalt  }
0x44: {  	_ =	shalt  }
0x45: {  	_ =	shalt  }
0x46: {  	_ =	shalt  }
0x47: {  	_ =	shalt  }
0x48: {  	_ =	shalt  }
0x49: {  	_ =	shalt  }
0x4a: {  	_ =	shalt  }
0x4b: {  	_ =	shalt  }
0x4c: {  	_ =	shalt  }
0x4d: {  	_ =	shalt  }
0x4e: {  	_ =	shalt  }
0x4f: {  	_ =	shalt  }
0x50: {  	_ =	shalt  }
0x51: {  	_ =	shalt  }
0x52: {  	_ =	shalt  }
0x53: {  	_ =	shalt  }
0x54: {  	_ =	shalt  }
0x55: {  	_ =	shalt  }
0x56: {  	_ =	shalt  }
0x57: {  	_ =	shalt  }
0x58: {  	_ =	shalt  }
0x59: {  	_ =	shalt  }
0x5a: {  	_ =	shalt  }
0x5b: {  	_ =	shalt  }
0x5c: {  	_ =	shalt  }
0x5d: {  	_ =	shalt  }
0x5e: {  	_ =	shalt  }
0x5f: {  	_ =	shalt  }
0x60: {  	_ =	shalt  }
0x61: {  	_ =	shalt  }
0x62: {  	_ =	shalt  }
0x63: {  	_ =	shalt  }
0x64: {  	_ =	shalt  }
0x65: {  	_ =	shalt  }
0x66: {  	_ =	shalt  }
0x67: {  	_ =	shalt  }
0x68: {  	_ =	shalt  }
0x69: {  	_ =	shalt  }
0x6a: {  	_ =	shalt  }
0x6b: {  	_ =	shalt  }
0x6c: {  	_ =	shalt  }
0x6d: {  	_ =	shalt  }
0x6e: {  	_ =	shalt  }
0x6f: {  	_ =	shalt  }
0x70: {  	_ =	shalt  }
0x71: {  	_ =	shalt  }
0x72: {  	_ =	shalt  }
0x73: {  	_ =	shalt  }
0x74: {  	_ =	shalt  }
0x75: {  	_ =	shalt  }
0x76: {  	_ =	shalt  }
0x77: {  	_ =	shalt  }
0x78: {  	_ =	shalt  }
0x79: {  	_ =	shalt  }
0x7a: {  	_ =	shalt  }
0x7b: {  	_ =	shalt  }
0x7c: {  	_ =	shalt  }
0x7d: {  	_ =	shalt  }
0x7e: {  	_ =	shalt  }
0x7f: {  	_ =	shalt  }
0x80: {  	_ =	shalt  }
0x81: {  	_ =	shalt  }
0x82: {  	_ =	shalt  }
0x83: {  	_ =	shalt  }
0x84: {  	_ =	shalt  }
0x85: {  	_ =	shalt  }
0x86: {  	_ =	shalt  }
0x87: {  	_ =	shalt  }
.Lfunc_end0:
.L_simem_size_0:
called_computation.1_lowered:
.L_overlay_start_0:
0x88: {  	s2 =	sld [smem:$0x3FD9]  }
0x89: {  	s3 =	sld [smem:$0x3FFE];
	_ =	sdelay $0x1  }
0x8a: {  	s1 =	srdreg.scid  }
0x8b: {  	s0 =	sand.u32 $0x1, s1  }
0x8c: {  	s17 =	sshll.u32 s0, $0xA;
	s2 =	sadd.s32 s3, s2  }
0x8d: {  	s2 =	sadd.s32 s2, s17  }
0x8e: {  	[smem:$0x3FC0] =	sst s2  }
0x8f: {  	_ = 	snop  }
0x90: {  	s2 =	sld [smem:$0x3FD0];
	(tm) =	ssettm $0x1  }
0x91: {  	s18 =	sld [smem:$0x3FFB];
	_ =	sdelay $0x3  }
0x92: {  	_ =	strace s18  }
0x93: {  	s3 =	sld [smem:$0x3FFC];
	_ =	sdelay $0x3  }
0x94: {  	_ =	strace s3  }
0x95: {  	s3 =	sld [smem:$0x3FFD];
	_ =	sdelay $0x3  }
0x96: {  	_ =	strace s3  }
0x97: {  	_ =	strace $0x8FFFFFFF  }
0x98: {  	s19 =	sld [smem:$0x3FDB];
	_ =	sdelay $0x1  }
0x99: {  	s4 =	simm.s32 $_scs_section_size  }
0x9a: {  	s5 =	simm.s32 $_size__tile_overlayer_lowered;
	s6 =	simm.s32 $_tile_overlayer_lowered  }
0x9b: {  	s22 =	simm.s32 $0x1BFF;
	s21 =	sshll.u32 s6, $0x1;
	s3 =	sadd.s32 s4, s19  }
0x9c: {  	s7 =	simm.s32 $0x0;
	s20 =	sshll.u32 s5, $0x1;
	s5 =	sadd.s32 s21, s3  }
0x9d: {  	[timem:s7], [sflag:s22] =	dma.local [hbm:s5], s20  }
0x9e: {  	_ =	swait.ge [sflag:s22], s20  }
0x9f: {  	s4 =	ssub.s32 $0x0, s20;
	[sflag:s22] =	ssyncset.done $0x0  }
0xa0: {  	[sflag:s22] =	ssyncadd.s32 s4;
	_ =	sdelay $0x1  }
0xa1: {  	s23 =	simm.s32 $0x1B8B  }
0xa2: {  	_ =	swait.ge [sflag:s23], $0x1  }
0xa3: {  	[sflag:s23] =	ssyncset.done $0x0  }
0xa4: {  	s25 =	simm.s32 $0x1B8E;
	s24 =	sld [smem:$0x3FFE];
	[sflag:s23] =	ssyncadd.s32 $0xFFFFFFFF  }
0xa5: {  	s26 =	simm.s32 $execute0_lowered;
	[smem:$0x3FD2] =	sst s25  }
0xa6: {  	s5 =	sshll.u32 s26, $0x1;
	_ =	strace $0x80000046;
	[dreg:$0x1] =	wrdreg $0xFFFFFFFF  }
0xa7: {  	s28 =	simm.s32 $_size_execute0_lowered;
	s3 =	sadd.s32 s3, s5;
	[dreg:$0x0] =	wrdreg $0x0  }
0xa8: {  	s5 =	sshll.u32 s28, $0x1;
	[dreg:$0x2] =	wrdreg s3  }
0xa9: {  	[dreg:$0x3] =	wrdreg s5  }
0xaa: {  	[dreg:$0x4] =	wrdreg $0xC0  }
0xab: {  	_ =	task [dreg:s7], $0x5FFFF  }
0xac: {  	[dreg:$0x1] =	wrdreg $0xFFFFFFFF  }
0xad: {  	[dreg:$0x0] =	wrdreg $0x60  }
0xae: {  	[dreg:$0x2] =	wrdreg s2  }
0xaf: {  	[dreg:$0x3] =	wrdreg s24  }
0xb0: {  	[dreg:$0x4] =	wrdreg $0x9  }
0xb1: {  	_ =	task.clear_ibuf [dreg:s7], $0x5FFFF;
	_ =	strace $0x90000046  }
0xb2: {  	s29 =	simm.s32 $0x9;
	_ =	strace $0x80000048  }
0xb3: {  	_ =	swait.ge [sflag:s29], $0x1  }
0xb4: {  	[sflag:s29] =	ssyncadd.s32 $0xFFFFFFFF  }
0xb5: {  	_ =	strace $0x90000048  }
0xb6: {  	_ =	sfence  }
0xb7: {  	s30 =	sld [smem:$0x0];
	_ =	sdelay $0x2  }
0xb8: {  	s31 =	sshll.u32 s1, $0xD;
	s1 =	sshrl.u32 s1, $0x2  }
0xb9: {  	s3 =	sand.u32 $0x4000, s31;
	s1 =	sadd.s32 s1, s30  }
0xba: {  	s0 =	sor.u32 s3, s0;
	s1 =	sshll.u32 s1, $0x11  }
0xbb: {  	s0 =	sor.u32 s1, s0  }
0xbc: {  	s0 =	sadd.s32 $0x8F2B, s0  }
0xbd: {  	[sflag:s0] =	ssyncadd.remote.s32 $0x1  }
0xbe: {  	_ =	sfence.sel $0xFFFF  }
0xbf: {  	[dreg:$0x0] =	wrdreg $0xFFFFFFFF;
	(pc) =	sbr.abs _section_cstart, $3  }
0xc0: {  	[dreg:$0x1] =	wrdreg $0xFFFFFFFF  }
0xc1: {  	_ =	task.clear_ibuf [dreg:s7], $0x2FFFF;
	_ =	strace $0x9FFFFFFF  }
0xc2: {  	(tm) =	ssettm $0x7FFFFFFF  }
0xc3: {  	_ =	shalt  }
tec
execute0_lowered:
.L_overlay_start_1:
0x0: {  	(tag) =	ssettag $0x1  }
0x1: {  	s2 =	rddreg [dreg:$0x0]  }
0x2: {  	s0 =	srdreg.scid;
	s3 =	stileid.u32  }
0x3: {  	s1 =	rddreg [dreg:$0x1];
	s8 =	simm.s32 $0x3;
	s9 =	simm.s32 $0x1  }
0x4: {  	s28 =	simm.s32 $0x2;
	s30 =	simm.s32 $0x100;
	s31 =	simm.s32 $0x900  }
0x5: {  	s10 =	simm.s32 $0x2100;
	s11 =	simm.s32 $0x2900;
	s12 =	simm.s32 $0x3100  }
0x6: {  	s13 =	simm.s32 $0x3900;
	s14 =	simm.s32 $0x4100;
	s15 =	simm.s32 $0x4900  }
0x7: {  	s16 =	simm.s32 $0x5100;
	s17 =	simm.s32 $0x5900;
	s18 =	simm.s32 $0x6100  }
0x8: {  	s19 =	simm.s32 $0x6900;
	s20 =	simm.s32 $0x7100;
	s21 =	simm.s32 $0x7900  }
0x9: {  	s22 =	simm.s32 $0x8100;
	s0 =	sand.u32 $0x1, s0;
	s4 =	sshll.u32 s3, $0x1  }
0xa: {  	s23 =	simm.s32 $0x8900;
	s24 =	simm.s32 $0x9100;
	s4 =	sor.u32 s0, s4  }
0xb: {  	s25 =	simm.s32 $0x9900;
	s3 =	simm.s32 $0x0;
	s5 =	smul.u32 $0x14, s4  }
0xc: {  	[smem:$0x7FF] =	sst s3;
	s0 =	ssub.s32 $0x2, s0;
	s6 =	smul.u32 $0x28000, s4  }
0xd: {  	_ =	strace $0x80000047;
	s7 =	sshrl.u32 s0, $0x1;
	s4 =	smul.u32 $0x5000, s4  }
0xe: {  	s0 =	ssub.s32 s0, s7;
	s5 =	sadd.s32 s5, s1;
	s1 =	sadd.s32 $0x5000, s1  }
0xf: {  	s6 =	sshrl.u32 s6, $0x3;
	s7 =	smax.u32 s0, $0x1;
	s5 =	sadd.s32 $0x4400, s5  }
0x10: {  	s26 =	sadd.s32 s1, s4;
	s1 =	sadd.s32 s1, s6;
	[dreg:$0x3] =	wrdreg s5  }
0x11: {  	s4 =	sadd.s32 $0x100, s2;
	[dreg:$0x4] =	wrdreg s26;
	s6 =	sadd.s32 $0x1400, s1  }
0x12: {  	v2 =	vlaneseq.u32;
	s5 =	sadd.s32 $0x200, s2;
	s29 =	sadd.s32 $0x2800, s1;
	[dreg:$0x5] =	wrdreg s6  }
0x13: {  	vm0 =	vmmov $0xffff;
	v1 =	vshrl.u32 v2, $0x3;
	s1 =	sadd.s32 $0x3C00, s1;
	s26 =	simm.s32 $0xA100;
	[dreg:$0x6] =	wrdreg s29  }
0x14: {  	v0 =	vand.u32 $0x7, v2;
	v2 =	vor.u32 $0x8, v2;
	v1 =	vmul.u32 $0x8, v1;
	s6 =	sadd.s32 $0x300, s2;
	[dreg:$0x7] =	wrdreg s1;
	s1 =	simm.s32 $0x1100  }
.LBB2_1:
0x15: {  	s29 =	rddreg [dreg:$0x3]  }
0x16: {  	[tilespmem:s3], [sflag:$0x3] =	stream.linear.gather [hbm4b:s29+s3], $0xA0, $0x38;
	[tilespmem:$0x14100] =	vst v63  }
0x17: {  	_ =	swait.ge [sflag:s8], $0xA0  }
0x18: {  	[sflag:s8] =	ssyncset.done $0x0  }
0x19: {  	[sflag:s8] =	ssyncadd.s32 $0xFFFFFF60  }
0x1a: {  	v3 =	vld [tilespmem:$0x0];
	_ =	sdelay $0x4  }
0x1b: {  	v4 =	vshll.u32 v3, $0x3  }
0x1c: {  	v3 =	vand.u32 $0x7, v3;
	v4 =	vand.u32 $0xFFFFFFC0, v4  }
0x1d: {  	v3 =	vor.u32 v3, v4  }
0x1e: {  	v4 =	vperm.xlane v3, v0;
	_ =	sdelay $0x1  }
0x1f: {  	v4 =	vadd.s32 v1, v4;
	_ =	sdelay $0x4  }
0x20: {  	[tilespmem:s30], [sflag:$0x1] =	stream.indirect_vreg.gather [hbm4b:s2+s3], $0x80, v4, vm0, $0xb8;
	[tilespmem:$0x14100] =	vst v63  }
0x21: {  	v3 =	vperm.xlane v3, v2  }
0x22: {  	[tilespmem:s31], [sflag:$0x1] =	stream.indirect_vreg.gather [hbm4b:s4+s3], $0x80, v4, vm0, $0xb8;
	[tilespmem:$0x14100] =	vst v63  }
0x23: {  	v3 =	vadd.s32 v1, v3  }
0x24: {  	[tilespmem:s1], [sflag:$0x1] =	stream.indirect_vreg.gather [hbm4b:s5+s3], $0x80, v4, vm0, $0xb8;
	[tilespmem:$0x14100] =	vst v63  }
0x25: {  	s0 =	simm.s32 $0x1900  }
0x26: {  	[tilespmem:s0], [sflag:$0x1] =	stream.indirect_vreg.gather [hbm4b:s6+s3], $0x80, v4, vm0, $0xb8;
	[tilespmem:$0x14100] =	vst v63  }
0x27: {  	_ = 	snop  }
0x28: {  	[tilespmem:s10], [sflag:$0x1] =	stream.indirect_vreg.gather [hbm4b:s2+s3], $0x80, v3, vm0, $0xb8;
	[tilespmem:$0x14100] =	vst v63  }
0x29: {  	_ = 	snop  }
0x2a: {  	[tilespmem:s11], [sflag:$0x1] =	stream.indirect_vreg.gather [hbm4b:s4+s3], $0x80, v3, vm0, $0xb8;
	[tilespmem:$0x14100] =	vst v63  }
0x2b: {  	_ = 	snop  }
0x2c: {  	[tilespmem:s12], [sflag:$0x1] =	stream.indirect_vreg.gather [hbm4b:s5+s3], $0x80, v3, vm0, $0xb8;
	[tilespmem:$0x14100] =	vst v63  }
0x2d: {  	_ = 	snop  }
0x2e: {  	[tilespmem:s13], [sflag:$0x1] =	stream.indirect_vreg.gather [hbm4b:s6+s3], $0x80, v3, vm0, $0xb8;
	[tilespmem:$0x14100] =	vst v63  }
0x2f: {  	v3 =	vld [tilespmem:$0x10];
	_ =	sdelay $0x4  }
0x30: {  	v53 =	vshll.u32 v3, $0x3  }
0x31: {  	v3 =	vand.u32 $0x7, v3;
	v4 =	vand.u32 $0xFFFFFFC0, v53  }
0x32: {  	v3 =	vor.u32 v3, v4  }
0x33: {  	v4 =	vperm.xlane v3, v0;
	_ =	sdelay $0x1  }
0x34: {  	v4 =	vadd.s32 v1, v4;
	_ =	sdelay $0x4  }
0x35: {  	[tilespmem:s14], [sflag:$0x1] =	stream.indirect_vreg.gather [hbm4b:s2+s3], $0x80, v4, vm0, $0xb8;
	[tilespmem:$0x14100] =	vst v63  }
0x36: {  	v3 =	vperm.xlane v3, v2  }
0x37: {  	[tilespmem:s15], [sflag:$0x1] =	stream.indirect_vreg.gather [hbm4b:s4+s3], $0x80, v4, vm0, $0xb8;
	[tilespmem:$0x14100] =	vst v63  }
0x38: {  	v3 =	vadd.s32 v1, v3  }
0x39: {  	[tilespmem:s16], [sflag:$0x1] =	stream.indirect_vreg.gather [hbm4b:s5+s3], $0x80, v4, vm0, $0xb8;
	[tilespmem:$0x14100] =	vst v63  }
0x3a: {  	_ = 	snop  }
0x3b: {  	[tilespmem:s17], [sflag:$0x1] =	stream.indirect_vreg.gather [hbm4b:s6+s3], $0x80, v4, vm0, $0xb8;
	[tilespmem:$0x14100] =	vst v63  }
0x3c: {  	_ = 	snop  }
0x3d: {  	[tilespmem:s18], [sflag:$0x1] =	stream.indirect_vreg.gather [hbm4b:s2+s3], $0x80, v3, vm0, $0xb8;
	[tilespmem:$0x14100] =	vst v63  }
0x3e: {  	_ = 	snop  }
0x3f: {  	[tilespmem:s19], [sflag:$0x1] =	stream.indirect_vreg.gather [hbm4b:s4+s3], $0x80, v3, vm0, $0xb8;
	[tilespmem:$0x14100] =	vst v63  }
0x40: {  	_ = 	snop  }
0x41: {  	[tilespmem:s20], [sflag:$0x1] =	stream.indirect_vreg.gather [hbm4b:s5+s3], $0x80, v3, vm0, $0xb8;
	[tilespmem:$0x14100] =	vst v63  }
0x42: {  	_ = 	snop  }
0x43: {  	[tilespmem:s21], [sflag:$0x1] =	stream.indirect_vreg.gather [hbm4b:s6+s3], $0x80, v3, vm0, $0xb8;
	[tilespmem:$0x14100] =	vst v63  }
0x44: {  	v3 =	vld.msk [tilespmem:$0x20], $0xff;
	_ =	sdelay $0x4  }
0x45: {  	v54 =	vshll.u32 v3, $0x3  }
0x46: {  	v3 =	vand.u32 $0x7, v3;
	v4 =	vand.u32 $0xFFFFFFC0, v54  }
0x47: {  	v3 =	vor.u32 v3, v4  }
0x48: {  	v3 =	vperm.xlane v3, v0;
	_ =	sdelay $0x1  }
0x49: {  	v3 =	vadd.s32 v1, v3;
	_ =	sdelay $0x4  }
0x4a: {  	[tilespmem:s22], [sflag:$0x1] =	stream.indirect_vreg.gather [hbm4b:s2+s3], $0x80, v3, vm0, $0xb8;
	[tilespmem:$0x14100] =	vst v63  }
0x4b: {  	_ = 	snop  }
0x4c: {  	[tilespmem:s23], [sflag:$0x1] =	stream.indirect_vreg.gather [hbm4b:s4+s3], $0x80, v3, vm0, $0xb8;
	[tilespmem:$0x14100] =	vst v63  }
0x4d: {  	_ = 	snop  }
0x4e: {  	[tilespmem:s24], [sflag:$0x1] =	stream.indirect_vreg.gather [hbm4b:s5+s3], $0x80, v3, vm0, $0xb8;
	[tilespmem:$0x14100] =	vst v63  }
0x4f: {  	_ = 	snop  }
0x50: {  	[tilespmem:s25], [sflag:$0x1] =	stream.indirect_vreg.gather [hbm4b:s6+s3], $0x80, v3, vm0, $0xb8;
	[tilespmem:$0x14100] =	vst v63  }
0x51: {  	v3 =	vld [tilespmem:$0x28];
	_ =	sdelay $0x4  }
0x52: {  	v55 =	vshll.u32 v3, $0x3  }
0x53: {  	v3 =	vand.u32 $0x7, v3;
	v4 =	vand.u32 $0xFFFFFFC0, v55  }
0x54: {  	v3 =	vor.u32 v3, v4  }
0x55: {  	v4 =	vperm.xlane v3, v0;
	_ =	sdelay $0x1  }
0x56: {  	v4 =	vadd.s32 v1, v4;
	_ =	sdelay $0x4  }
0x57: {  	[tilespmem:s26], [sflag:$0x2] =	stream.indirect_vreg.gather [hbm4b:s2+s3], $0x80, v4, vm0, $0xb8;
	[tilespmem:$0x14100] =	vst v63  }
0x58: {  	s29 =	simm.s32 $0xA900;
	v3 =	vperm.xlane v3, v2  }
0x59: {  	[tilespmem:s29], [sflag:$0x2] =	stream.indirect_vreg.gather [hbm4b:s4+s3], $0x80, v4, vm0, $0xb8;
	[tilespmem:$0x14100] =	vst v63  }
0x5a: {  	v3 =	vadd.s32 v1, v3;
	s29 =	simm.s32 $0xB100  }
0x5b: {  	[tilespmem:s29], [sflag:$0x2] =	stream.indirect_vreg.gather [hbm4b:s5+s3], $0x80, v4, vm0, $0xb8;
	[tilespmem:$0x14100] =	vst v63  }
0x5c: {  	s29 =	simm.s32 $0xB900  }
0x5d: {  	[tilespmem:s29], [sflag:$0x2] =	stream.indirect_vreg.gather [hbm4b:s6+s3], $0x80, v4, vm0, $0xb8;
	[tilespmem:$0x14100] =	vst v63  }
0x5e: {  	s29 =	simm.s32 $0xC100  }
0x5f: {  	[tilespmem:s29], [sflag:$0x2] =	stream.indirect_vreg.gather [hbm4b:s2+s3], $0x80, v3, vm0, $0xb8;
	[tilespmem:$0x14100] =	vst v63  }
0x60: {  	s29 =	simm.s32 $0xC900  }
0x61: {  	[tilespmem:s29], [sflag:$0x2] =	stream.indirect_vreg.gather [hbm4b:s4+s3], $0x80, v3, vm0, $0xb8;
	[tilespmem:$0x14100] =	vst v63  }
0x62: {  	s29 =	simm.s32 $0xD100  }
0x63: {  	[tilespmem:s29], [sflag:$0x2] =	stream.indirect_vreg.gather [hbm4b:s5+s3], $0x80, v3, vm0, $0xb8;
	[tilespmem:$0x14100] =	vst v63  }
0x64: {  	s29 =	simm.s32 $0xD900  }
0x65: {  	[tilespmem:s29], [sflag:$0x2] =	stream.indirect_vreg.gather [hbm4b:s6+s3], $0x80, v3, vm0, $0xb8;
	[tilespmem:$0x14100] =	vst v63  }
0x66: {  	v3 =	vld [tilespmem:$0x38];
	_ =	sdelay $0x4  }
0x67: {  	v56 =	vshll.u32 v3, $0x3  }
0x68: {  	v3 =	vand.u32 $0x7, v3;
	v4 =	vand.u32 $0xFFFFFFC0, v56  }
0x69: {  	v3 =	vor.u32 v3, v4  }
0x6a: {  	v4 =	vperm.xlane v3, v0;
	_ =	sdelay $0x1  }
0x6b: {  	v4 =	vadd.s32 v1, v4;
	_ =	sdelay $0x3  }
0x6c: {  	s29 =	simm.s32 $0xE100  }
0x6d: {  	[tilespmem:s29], [sflag:$0x2] =	stream.indirect_vreg.gather [hbm4b:s2+s3], $0x80, v4, vm0, $0xb8;
	[tilespmem:$0x14100] =	vst v63  }
0x6e: {  	v3 =	vperm.xlane v3, v2;
	s29 =	simm.s32 $0xE900  }
0x6f: {  	[tilespmem:s29], [sflag:$0x2] =	stream.indirect_vreg.gather [hbm4b:s4+s3], $0x80, v4, vm0, $0xb8;
	[tilespmem:$0x14100] =	vst v63  }
0x70: {  	v3 =	vadd.s32 v1, v3;
	s29 =	simm.s32 $0xF100  }
0x71: {  	[tilespmem:s29], [sflag:$0x2] =	stream.indirect_vreg.gather [hbm4b:s5+s3], $0x80, v4, vm0, $0xb8;
	[tilespmem:$0x14100] =	vst v63  }
0x72: {  	s29 =	simm.s32 $0xF900  }
0x73: {  	[tilespmem:s29], [sflag:$0x2] =	stream.indirect_vreg.gather [hbm4b:s6+s3], $0x80, v4, vm0, $0xb8;
	[tilespmem:$0x14100] =	vst v63  }
0x74: {  	s29 =	simm.s32 $0x10100  }
0x75: {  	[tilespmem:s29], [sflag:$0x2] =	stream.indirect_vreg.gather [hbm4b:s2+s3], $0x80, v3, vm0, $0xb8;
	[tilespmem:$0x14100] =	vst v63  }
0x76: {  	s29 =	simm.s32 $0x10900  }
0x77: {  	[tilespmem:s29], [sflag:$0x2] =	stream.indirect_vreg.gather [hbm4b:s4+s3], $0x80, v3, vm0, $0xb8;
	[tilespmem:$0x14100] =	vst v63  }
0x78: {  	s29 =	simm.s32 $0x11100  }
0x79: {  	[tilespmem:s29], [sflag:$0x2] =	stream.indirect_vreg.gather [hbm4b:s5+s3], $0x80, v3, vm0, $0xb8;
	[tilespmem:$0x14100] =	vst v63  }
0x7a: {  	s29 =	simm.s32 $0x11900  }
0x7b: {  	[tilespmem:s29], [sflag:$0x2] =	stream.indirect_vreg.gather [hbm4b:s6+s3], $0x80, v3, vm0, $0xb8;
	[tilespmem:$0x14100] =	vst v63  }
0x7c: {  	v3 =	vld.msk [tilespmem:$0x48], $0xff;
	_ =	sdelay $0x4  }
0x7d: {  	v57 =	vshll.u32 v3, $0x3  }
0x7e: {  	v3 =	vand.u32 $0x7, v3;
	v4 =	vand.u32 $0xFFFFFFC0, v57  }
0x7f: {  	v3 =	vor.u32 v3, v4  }
0x80: {  	v3 =	vperm.xlane v3, v0;
	_ =	sdelay $0x1  }
0x81: {  	v3 =	vadd.s32 v1, v3;
	_ =	sdelay $0x3  }
0x82: {  	s29 =	simm.s32 $0x12100  }
0x83: {  	[tilespmem:s29], [sflag:$0x2] =	stream.indirect_vreg.gather [hbm4b:s2+s3], $0x80, v3, vm0, $0xb8;
	[tilespmem:$0x14100] =	vst v63  }
0x84: {  	s29 =	simm.s32 $0x12900  }
0x85: {  	[tilespmem:s29], [sflag:$0x2] =	stream.indirect_vreg.gather [hbm4b:s4+s3], $0x80, v3, vm0, $0xb8;
	[tilespmem:$0x14100] =	vst v63  }
0x86: {  	s29 =	simm.s32 $0x13100  }
0x87: {  	[tilespmem:s29], [sflag:$0x2] =	stream.indirect_vreg.gather [hbm4b:s5+s3], $0x80, v3, vm0, $0xb8;
	[tilespmem:$0x14100] =	vst v63  }
0x88: {  	s29 =	simm.s32 $0x13900  }
0x89: {  	[tilespmem:s29], [sflag:$0x2] =	stream.indirect_vreg.gather [hbm4b:s6+s3], $0x80, v3, vm0, $0xb8;
	[tilespmem:$0x14100] =	vst v63  }
0x8a: {  	_ =	swait.ge [sflag:s9], $0xA000  }
0x8b: {  	[sflag:s9] =	ssyncset.done $0x0  }
0x8c: {  	s29 =	rddreg [dreg:$0x4];
	[sflag:s9] =	ssyncadd.s32 $0xFFFF6000  }
0x8d: {  	[hbm4b:s29+s3] =	stream.linear.scatter [tilespmem:s30], [sflag:$0x3], $0xA000, $0x38;
	[tilespmem:$0x14100] =	vst v63  }
0x8e: {  	_ =	swait.ge [sflag:s8], $0xA000  }
0x8f: {  	[sflag:s8] =	ssyncset.done $0x0  }
0x90: {  	[sflag:s8] =	ssyncadd.s32 $0xFFFF6000  }
0x91: {  	v3 =	vld [tilespmem:$0x50];
	_ =	sdelay $0x4  }
0x92: {  	v58 =	vshll.u32 v3, $0x3  }
0x93: {  	v3 =	vand.u32 $0x7, v3;
	v4 =	vand.u32 $0xFFFFFFC0, v58  }
0x94: {  	v3 =	vor.u32 v3, v4  }
0x95: {  	v4 =	vperm.xlane v3, v0;
	_ =	sdelay $0x1  }
0x96: {  	v4 =	vadd.s32 v1, v4;
	_ =	sdelay $0x4  }
0x97: {  	[tilespmem:s30], [sflag:$0x1] =	stream.indirect_vreg.gather [hbm4b:s2+s3], $0x80, v4, vm0, $0xb8;
	[tilespmem:$0x14100] =	vst v63  }
0x98: {  	v3 =	vperm.xlane v3, v2  }
0x99: {  	[tilespmem:s31], [sflag:$0x1] =	stream.indirect_vreg.gather [hbm4b:s4+s3], $0x80, v4, vm0, $0xb8;
	[tilespmem:$0x14100] =	vst v63  }
0x9a: {  	v3 =	vadd.s32 v1, v3  }
0x9b: {  	[tilespmem:s1], [sflag:$0x1] =	stream.indirect_vreg.gather [hbm4b:s5+s3], $0x80, v4, vm0, $0xb8;
	[tilespmem:$0x14100] =	vst v63  }
0x9c: {  	_ = 	snop  }
0x9d: {  	[tilespmem:s0], [sflag:$0x1] =	stream.indirect_vreg.gather [hbm4b:s6+s3], $0x80, v4, vm0, $0xb8;
	[tilespmem:$0x14100] =	vst v63  }
0x9e: {  	_ = 	snop  }
0x9f: {  	[tilespmem:s10], [sflag:$0x1] =	stream.indirect_vreg.gather [hbm4b:s2+s3], $0x80, v3, vm0, $0xb8;
	[tilespmem:$0x14100] =	vst v63  }
0xa0: {  	_ = 	snop  }
0xa1: {  	[tilespmem:s11], [sflag:$0x1] =	stream.indirect_vreg.gather [hbm4b:s4+s3], $0x80, v3, vm0, $0xb8;
	[tilespmem:$0x14100] =	vst v63  }
0xa2: {  	_ = 	snop  }
0xa3: {  	[tilespmem:s12], [sflag:$0x1] =	stream.indirect_vreg.gather [hbm4b:s5+s3], $0x80, v3, vm0, $0xb8;
	[tilespmem:$0x14100] =	vst v63  }
0xa4: {  	_ = 	snop  }
0xa5: {  	[tilespmem:s13], [sflag:$0x1] =	stream.indirect_vreg.gather [hbm4b:s6+s3], $0x80, v3, vm0, $0xb8;
	[tilespmem:$0x14100] =	vst v63  }
0xa6: {  	v3 =	vld [tilespmem:$0x60];
	_ =	sdelay $0x4  }
0xa7: {  	v59 =	vshll.u32 v3, $0x3  }
0xa8: {  	v3 =	vand.u32 $0x7, v3;
	v4 =	vand.u32 $0xFFFFFFC0, v59  }
0xa9: {  	v3 =	vor.u32 v3, v4  }
0xaa: {  	v4 =	vperm.xlane v3, v0;
	_ =	sdelay $0x1  }
0xab: {  	v4 =	vadd.s32 v1, v4;
	_ =	sdelay $0x4  }
0xac: {  	[tilespmem:s14], [sflag:$0x1] =	stream.indirect_vreg.gather [hbm4b:s2+s3], $0x80, v4, vm0, $0xb8;
	[tilespmem:$0x14100] =	vst v63  }
0xad: {  	v3 =	vperm.xlane v3, v2  }
0xae: {  	[tilespmem:s15], [sflag:$0x1] =	stream.indirect_vreg.gather [hbm4b:s4+s3], $0x80, v4, vm0, $0xb8;
	[tilespmem:$0x14100] =	vst v63  }
0xaf: {  	v3 =	vadd.s32 v1, v3  }
0xb0: {  	[tilespmem:s16], [sflag:$0x1] =	stream.indirect_vreg.gather [hbm4b:s5+s3], $0x80, v4, vm0, $0xb8;
	[tilespmem:$0x14100] =	vst v63  }
0xb1: {  	_ = 	snop  }
0xb2: {  	[tilespmem:s17], [sflag:$0x1] =	stream.indirect_vreg.gather [hbm4b:s6+s3], $0x80, v4, vm0, $0xb8;
	[tilespmem:$0x14100] =	vst v63  }
0xb3: {  	_ = 	snop  }
0xb4: {  	[tilespmem:s18], [sflag:$0x1] =	stream.indirect_vreg.gather [hbm4b:s2+s3], $0x80, v3, vm0, $0xb8;
	[tilespmem:$0x14100] =	vst v63  }
0xb5: {  	_ = 	snop  }
0xb6: {  	[tilespmem:s19], [sflag:$0x1] =	stream.indirect_vreg.gather [hbm4b:s4+s3], $0x80, v3, vm0, $0xb8;
	[tilespmem:$0x14100] =	vst v63  }
0xb7: {  	_ = 	snop  }
0xb8: {  	[tilespmem:s20], [sflag:$0x1] =	stream.indirect_vreg.gather [hbm4b:s5+s3], $0x80, v3, vm0, $0xb8;
	[tilespmem:$0x14100] =	vst v63  }
0xb9: {  	_ = 	snop  }
0xba: {  	[tilespmem:s21], [sflag:$0x1] =	stream.indirect_vreg.gather [hbm4b:s6+s3], $0x80, v3, vm0, $0xb8;
	[tilespmem:$0x14100] =	vst v63  }
0xbb: {  	v3 =	vld.msk [tilespmem:$0x70], $0xff;
	_ =	sdelay $0x4  }
0xbc: {  	v60 =	vshll.u32 v3, $0x3  }
0xbd: {  	v3 =	vand.u32 $0x7, v3;
	v4 =	vand.u32 $0xFFFFFFC0, v60  }
0xbe: {  	v3 =	vor.u32 v3, v4  }
0xbf: {  	v3 =	vperm.xlane v3, v0;
	_ =	sdelay $0x1  }
0xc0: {  	v3 =	vadd.s32 v1, v3;
	_ =	sdelay $0x4  }
0xc1: {  	[tilespmem:s22], [sflag:$0x1] =	stream.indirect_vreg.gather [hbm4b:s2+s3], $0x80, v3, vm0, $0xb8;
	[tilespmem:$0x14100] =	vst v63  }
0xc2: {  	_ = 	snop  }
0xc3: {  	[tilespmem:s23], [sflag:$0x1] =	stream.indirect_vreg.gather [hbm4b:s4+s3], $0x80, v3, vm0, $0xb8;
	[tilespmem:$0x14100] =	vst v63  }
0xc4: {  	_ = 	snop  }
0xc5: {  	[tilespmem:s24], [sflag:$0x1] =	stream.indirect_vreg.gather [hbm4b:s5+s3], $0x80, v3, vm0, $0xb8;
	[tilespmem:$0x14100] =	vst v63  }
0xc6: {  	_ = 	snop  }
0xc7: {  	[tilespmem:s25], [sflag:$0x1] =	stream.indirect_vreg.gather [hbm4b:s6+s3], $0x80, v3, vm0, $0xb8;
	[tilespmem:$0x14100] =	vst v63  }
0xc8: {  	_ =	swait.ge [sflag:s28], $0xA000  }
0xc9: {  	[sflag:s28] =	ssyncset.done $0x0  }
0xca: {  	s0 =	rddreg [dreg:$0x5];
	[sflag:s28] =	ssyncadd.s32 $0xFFFF6000  }
0xcb: {  	[hbm4b:s0+s3] =	stream.linear.scatter [tilespmem:s26], [sflag:$0x3], $0xA000, $0x38;
	[tilespmem:$0x14100] =	vst v63  }
0xcc: {  	_ =	swait.ge [sflag:s8], $0xA000  }
0xcd: {  	[sflag:s8] =	ssyncset.done $0x0  }
0xce: {  	[sflag:s8] =	ssyncadd.s32 $0xFFFF6000  }
0xcf: {  	v3 =	vld [tilespmem:$0x78];
	_ =	sdelay $0x4  }
0xd0: {  	v61 =	vshll.u32 v3, $0x3  }
0xd1: {  	v3 =	vand.u32 $0x7, v3;
	v4 =	vand.u32 $0xFFFFFFC0, v61  }
0xd2: {  	v3 =	vor.u32 v3, v4  }
0xd3: {  	v4 =	vperm.xlane v3, v0;
	_ =	sdelay $0x1  }
0xd4: {  	v4 =	vadd.s32 v1, v4;
	_ =	sdelay $0x4  }
0xd5: {  	[tilespmem:s26], [sflag:$0x2] =	stream.indirect_vreg.gather [hbm4b:s2+s3], $0x80, v4, vm0, $0xb8;
	[tilespmem:$0x14100] =	vst v63  }
0xd6: {  	s29 =	simm.s32 $0xA900;
	v3 =	vperm.xlane v3, v2  }
0xd7: {  	[tilespmem:s29], [sflag:$0x2] =	stream.indirect_vreg.gather [hbm4b:s4+s3], $0x80, v4, vm0, $0xb8;
	[tilespmem:$0x14100] =	vst v63  }
0xd8: {  	v3 =	vadd.s32 v1, v3;
	s29 =	simm.s32 $0xB100  }
0xd9: {  	[tilespmem:s29], [sflag:$0x2] =	stream.indirect_vreg.gather [hbm4b:s5+s3], $0x80, v4, vm0, $0xb8;
	[tilespmem:$0x14100] =	vst v63  }
0xda: {  	s29 =	simm.s32 $0xB900  }
0xdb: {  	[tilespmem:s29], [sflag:$0x2] =	stream.indirect_vreg.gather [hbm4b:s6+s3], $0x80, v4, vm0, $0xb8;
	[tilespmem:$0x14100] =	vst v63  }
0xdc: {  	s29 =	simm.s32 $0xC100  }
0xdd: {  	[tilespmem:s29], [sflag:$0x2] =	stream.indirect_vreg.gather [hbm4b:s2+s3], $0x80, v3, vm0, $0xb8;
	[tilespmem:$0x14100] =	vst v63  }
0xde: {  	s29 =	simm.s32 $0xC900  }
0xdf: {  	[tilespmem:s29], [sflag:$0x2] =	stream.indirect_vreg.gather [hbm4b:s4+s3], $0x80, v3, vm0, $0xb8;
	[tilespmem:$0x14100] =	vst v63  }
0xe0: {  	s29 =	simm.s32 $0xD100  }
0xe1: {  	[tilespmem:s29], [sflag:$0x2] =	stream.indirect_vreg.gather [hbm4b:s5+s3], $0x80, v3, vm0, $0xb8;
	[tilespmem:$0x14100] =	vst v63  }
0xe2: {  	s29 =	simm.s32 $0xD900  }
0xe3: {  	[tilespmem:s29], [sflag:$0x2] =	stream.indirect_vreg.gather [hbm4b:s6+s3], $0x80, v3, vm0, $0xb8;
	[tilespmem:$0x14100] =	vst v63  }
0xe4: {  	v3 =	vld [tilespmem:$0x88];
	_ =	sdelay $0x4  }
0xe5: {  	v62 =	vshll.u32 v3, $0x3  }
0xe6: {  	v3 =	vand.u32 $0x7, v3;
	v4 =	vand.u32 $0xFFFFFFC0, v62  }
0xe7: {  	v3 =	vor.u32 v3, v4  }
0xe8: {  	v4 =	vperm.xlane v3, v0;
	_ =	sdelay $0x1  }
0xe9: {  	v4 =	vadd.s32 v1, v4;
	_ =	sdelay $0x3  }
0xea: {  	s29 =	simm.s32 $0xE100  }
0xeb: {  	[tilespmem:s29], [sflag:$0x2] =	stream.indirect_vreg.gather [hbm4b:s2+s3], $0x80, v4, vm0, $0xb8;
	[tilespmem:$0x14100] =	vst v63  }
0xec: {  	v3 =	vperm.xlane v3, v2;
	s29 =	simm.s32 $0xE900  }
0xed: {  	[tilespmem:s29], [sflag:$0x2] =	stream.indirect_vreg.gather [hbm4b:s4+s3], $0x80, v4, vm0, $0xb8;
	[tilespmem:$0x14100] =	vst v63  }
0xee: {  	v3 =	vadd.s32 v1, v3;
	s29 =	simm.s32 $0xF100  }
0xef: {  	[tilespmem:s29], [sflag:$0x2] =	stream.indirect_vreg.gather [hbm4b:s5+s3], $0x80, v4, vm0, $0xb8;
	[tilespmem:$0x14100] =	vst v63  }
0xf0: {  	s29 =	simm.s32 $0xF900  }
0xf1: {  	[tilespmem:s29], [sflag:$0x2] =	stream.indirect_vreg.gather [hbm4b:s6+s3], $0x80, v4, vm0, $0xb8;
	[tilespmem:$0x14100] =	vst v63  }
0xf2: {  	s29 =	simm.s32 $0x10100  }
0xf3: {  	[tilespmem:s29], [sflag:$0x2] =	stream.indirect_vreg.gather [hbm4b:s2+s3], $0x80, v3, vm0, $0xb8;
	[tilespmem:$0x14100] =	vst v63  }
0xf4: {  	s29 =	simm.s32 $0x10900  }
0xf5: {  	[tilespmem:s29], [sflag:$0x2] =	stream.indirect_vreg.gather [hbm4b:s4+s3], $0x80, v3, vm0, $0xb8;
	[tilespmem:$0x14100] =	vst v63  }
0xf6: {  	s29 =	simm.s32 $0x11100  }
0xf7: {  	[tilespmem:s29], [sflag:$0x2] =	stream.indirect_vreg.gather [hbm4b:s5+s3], $0x80, v3, vm0, $0xb8;
	[tilespmem:$0x14100] =	vst v63  }
0xf8: {  	s29 =	simm.s32 $0x11900  }
0xf9: {  	[tilespmem:s29], [sflag:$0x2] =	stream.indirect_vreg.gather [hbm4b:s6+s3], $0x80, v3, vm0, $0xb8;
	[tilespmem:$0x14100] =	vst v63  }
0xfa: {  	v3 =	vld.msk [tilespmem:$0x98], $0xff;
	_ =	sdelay $0x4  }
0xfb: {  	v63 =	vshll.u32 v3, $0x3  }
0xfc: {  	v3 =	vand.u32 $0x7, v3;
	v4 =	vand.u32 $0xFFFFFFC0, v63  }
0xfd: {  	v3 =	vor.u32 v3, v4  }
0xfe: {  	v3 =	vperm.xlane v3, v0;
	_ =	sdelay $0x1  }
0xff: {  	v3 =	vadd.s32 v1, v3;
	_ =	sdelay $0x3  }
0x100: {  	s29 =	simm.s32 $0x12100  }
0x101: {  	[tilespmem:s29], [sflag:$0x2] =	stream.indirect_vreg.gather [hbm4b:s2+s3], $0x80, v3, vm0, $0xb8;
	[tilespmem:$0x14100] =	vst v63  }
0x102: {  	s29 =	simm.s32 $0x12900  }
0x103: {  	[tilespmem:s29], [sflag:$0x2] =	stream.indirect_vreg.gather [hbm4b:s4+s3], $0x80, v3, vm0, $0xb8;
	[tilespmem:$0x14100] =	vst v63  }
0x104: {  	s29 =	simm.s32 $0x13100  }
0x105: {  	[tilespmem:s29], [sflag:$0x2] =	stream.indirect_vreg.gather [hbm4b:s5+s3], $0x80, v3, vm0, $0xb8;
	[tilespmem:$0x14100] =	vst v63  }
0x106: {  	s29 =	simm.s32 $0x13900  }
0x107: {  	[tilespmem:s29], [sflag:$0x2] =	stream.indirect_vreg.gather [hbm4b:s6+s3], $0x80, v3, vm0, $0xb8;
	[tilespmem:$0x14100] =	vst v63  }
0x108: {  	_ =	swait.ge [sflag:s9], $0xA000  }
0x109: {  	[sflag:s9] =	ssyncset.done $0x0  }
0x10a: {  	s0 =	rddreg [dreg:$0x6];
	[sflag:s9] =	ssyncadd.s32 $0xFFFF6000  }
0x10b: {  	[hbm4b:s0+s3] =	stream.linear.scatter [tilespmem:s30], [sflag:$0x3], $0xA000, $0x38;
	[tilespmem:$0x14100] =	vst v63  }
0x10c: {  	_ =	swait.ge [sflag:s8], $0xA000  }
0x10d: {  	[sflag:s8] =	ssyncset.done $0x0  }
0x10e: {  	[sflag:s8] =	ssyncadd.s32 $0xFFFF6000  }
0x10f: {  	_ =	swait.ge [sflag:s28], $0xA000  }
0x110: {  	p0 =	sne.s32 s7, $0x1;
	[sflag:s28] =	ssyncset.done $0x0  }
.Ltmp0:
0x111: {  	s0 =	rddreg [dreg:$0x7];
	[sflag:s28] =	ssyncadd.s32 $0xFFFF6000;
	(pc) =	sbr.rel @p0 .LBB2_1-.Ltmp0, $4  }
0x112: {  	[hbm4b:s0+s3] =	stream.linear.scatter [tilespmem:s26], [sflag:$0x3], $0xA000, $0x38;
	[tilespmem:$0x14100] =	vst v63  }
0x113: {  	_ =	swait.ge [sflag:s8], $0xA000  }
0x114: {  	[sflag:s8] =	ssyncset.done $0x0  }
0x115: {  	s7 =	sadd.s32 $0xFFFFFFFF, s7;
	[sflag:s8] =	ssyncadd.s32 $0xFFFF6000  }
0x116: {  	_ =	sfence.sel $0x180000  }
0x117: {  	[bflag:$0x0] =	sbarrier.arrive $0xFFFF  }
0x118: {  	_ =	strace $0x90000047  }
0x119: {  	s0 =	stileid.u32;
	[bflag:$0x2] =	sbarrier.arrive $0xFFFF  }
0x11a: {  	p0 =	sne.s32 s0, $0x0;
	s0 =	rddreg [dreg:$0x2]  }
0x11b: {  	s0 =	sadd.s32 @!p0 $0x100000, s0  }
0x11c: {  	[sflag:s0] =	ssyncadd.tile.s32 @!p0 $0x1;
	_ =	shalt  }
.Lfunc_end2:
_tile_overlayer_lowered:
.L_overlay_start_2:
0x11d: {  	(tag) =	ssettag $0x2  }
0x11e: {  	s0 =	rddreg [dreg:$0x0];
	s2 =	stileid.u32  }
0x11f: {  	s1 =	rddreg [dreg:$0x1];
	p0 =	sne.s32 s2, $0x0  }
0x120: {  	s3 =	rddreg [dreg:$0x2];
	[bflag:$0x3] =	sbarrier.arrive $0xFFFF;
	s2 =	simm.s32 @!p0 $0x1C03  }
0x121: {  	[timem:s3], [sflag:s2] =	dma.local @!p0 [hbm:s0], s1  }
0x122: {  	s0 =	simm.s32 @!p0 $0x3  }
0x123: {  	_ =	swait.ge @!p0 [sflag:s0], s1  }
0x124: {  	s1 =	ssub.s32 @!p0 $0x0, s1;
	[sflag:s0] =	ssyncset.done @!p0 $0x0  }
0x125: {  	[sflag:s0] =	ssyncadd.s32 @!p0 s1  }
0x126: {  	[bflag:$0x3] =	sbarrier.arrive $0xFFFF  }
0x127: {  	_ =	shalt  }

// kernel: sparse-core-data-format-call.cloned.1.call-start
scs
called_computation_lowered:
.L_overlay_start_0:
0x0: {  	s1 =	sld [smem:$0x3FD9]  }
0x1: {  	s2 =	sld [smem:$0x3FFE];
	_ =	sdelay $0x1  }
0x2: {  	s3 =	srdreg.scid  }
0x3: {  	s0 =	sand.u32 $0x1, s3  }
0x4: {  	s17 =	sshll.u32 s0, $0xA;
	s1 =	sadd.s32 s2, s1  }
0x5: {  	s1 =	sadd.s32 s1, s17  }
0x6: {  	[smem:$0x3FC0] =	sst s1  }
0x7: {  	_ = 	snop  }
0x8: {  	(tm) =	ssettm $0x1  }
0x9: {  	s18 =	sld [smem:$0x3FFB];
	_ =	sdelay $0x3  }
0xa: {  	_ =	strace s18  }
0xb: {  	s1 =	sld [smem:$0x3FFC];
	_ =	sdelay $0x3  }
0xc: {  	_ =	strace s1  }
0xd: {  	s1 =	sld [smem:$0x3FFD];
	_ =	sdelay $0x3  }
0xe: {  	_ =	strace s1  }
0xf: {  	_ =	strace $0x8FFFFFFF  }
0x10: {  	s19 =	sld [smem:$0x3FDB];
	_ =	sdelay $0x1  }
0x11: {  	s20 =	simm.s32 $_scs_section_size  }
0x12: {  	s4 =	simm.s32 $_size__tile_overlayer_lowered;
	s5 =	simm.s32 $_tile_overlayer_lowered  }
0x13: {  	s23 =	simm.s32 $0x1BFF;
	s22 =	sshll.u32 s5, $0x1;
	s1 =	sadd.s32 s20, s19  }
0x14: {  	s6 =	simm.s32 $0x0;
	s21 =	sshll.u32 s4, $0x1;
	s4 =	sadd.s32 s22, s1  }
0x15: {  	[timem:s6], [sflag:s23] =	dma.local [hbm:s4], s21  }
0x16: {  	_ =	swait.ge [sflag:s23], s21  }
0x17: {  	s2 =	ssub.s32 $0x0, s21;
	[sflag:s23] =	ssyncset.done $0x0  }
0x18: {  	[sflag:s23] =	ssyncadd.s32 s2;
	_ =	sdelay $0x1  }
0x19: {  	s24 =	simm.s32 $0x1B8B  }
0x1a: {  	_ =	swait.ge [sflag:s24], $0x1  }
0x1b: {  	[sflag:s24] =	ssyncset.done $0x0  }
0x1c: {  	s26 =	simm.s32 $0x1B8E;
	s25 =	sld [smem:$0x3FFE];
	[sflag:s24] =	ssyncadd.s32 $0xFFFFFFFF  }
0x1d: {  	s27 =	simm.s32 $execute0_lowered;
	[smem:$0x3FD2] =	sst s26  }
0x1e: {  	s4 =	sshll.u32 s27, $0x1;
	_ =	strace $0x80000049;
	[dreg:$0x1] =	wrdreg $0xFFFFFFFF  }
0x1f: {  	s28 =	simm.s32 $_size_execute0_lowered;
	s1 =	sadd.s32 s1, s4;
	[dreg:$0x0] =	wrdreg $0x0  }
0x20: {  	s4 =	sshll.u32 s28, $0x1;
	[dreg:$0x2] =	wrdreg s1  }
0x21: {  	[dreg:$0x3] =	wrdreg s4  }
0x22: {  	[dreg:$0x4] =	wrdreg $0xC0  }
0x23: {  	_ =	task [dreg:s6], $0x5FFFF  }
0x24: {  	[dreg:$0x1] =	wrdreg $0xFFFFFFFF  }
0x25: {  	[dreg:$0x0] =	wrdreg $0x60  }
0x26: {  	[dreg:$0x2] =	wrdreg s25  }
0x27: {  	[dreg:$0x3] =	wrdreg $0x9  }
0x28: {  	_ =	task.clear_ibuf [dreg:s6], $0x4FFFF;
	_ =	strace $0x90000049  }
0x29: {  	s29 =	simm.s32 $0x9;
	_ =	strace $0x8000004B  }
0x2a: {  	_ =	swait.ge [sflag:s29], $0x1  }
0x2b: {  	[sflag:s29] =	ssyncadd.s32 $0xFFFFFFFF  }
0x2c: {  	_ =	strace $0x9000004B  }
0x2d: {  	_ =	sfence  }
0x2e: {  	s30 =	sld [smem:$0x0];
	_ =	sdelay $0x2  }
0x2f: {  	s31 =	sshll.u32 s3, $0xD;
	s3 =	sshrl.u32 s3, $0x2  }
0x30: {  	s2 =	sand.u32 $0x4000, s31;
	s1 =	sadd.s32 s3, s30  }
0x31: {  	s0 =	sor.u32 s2, s0;
	s1 =	sshll.u32 s1, $0x11  }
0x32: {  	s0 =	sor.u32 s1, s0  }
0x33: {  	s0 =	sadd.s32 $0x8F2B, s0  }
0x34: {  	[sflag:s0] =	ssyncadd.remote.s32 $0x1  }
0x35: {  	_ =	sfence.sel $0xFFFF  }
0x36: {  	[dreg:$0x0] =	wrdreg $0xFFFFFFFF;
	(pc) =	sbr.abs _section_cstart, $3  }
0x37: {  	[dreg:$0x1] =	wrdreg $0xFFFFFFFF  }
0x38: {  	_ =	task.clear_ibuf [dreg:s6], $0x2FFFF;
	_ =	strace $0x9FFFFFFF  }
0x39: {  	(tm) =	ssettm $0x7FFFFFFF  }
tec
execute0_lowered:
.L_overlay_start_1:
0x0: {  	(tag) =	ssettag $0x1  }
0x1: {  	s7 =	rddreg [dreg:$0x0]  }
0x2: {  	s1 =	stileid.u32;
	s3 =	srdreg.scid  }
0x3: {  	s0 =	rddreg [dreg:$0x1];
	_ =	strace $0x8000004A;
	s8 =	simm.s32 $0x1  }
0x4: {  	s31 =	simm.s32 $0x2;
	s14 =	simm.s32 $0x0;
	s13 =	simm.s32 $0x0  }
0x5: {  	s12 =	simm.s32 $0x0;
	s2 =	sshll.u32 s1, $0x7;
	s3 =	sshll.u32 s3, $0x7  }
0x6: {  	s3 =	sand.u32 $0x80, s3;
	s4 =	ssub.s32 $0x800, s2;
	s11 =	smov.u32 s2  }
0x7: {  	s5 =	sshrl.u32 s4, $0xB;
	s4 =	sand.u32 $0x780, s4;
	s6 =	ssub.s32 $0x1400, s3  }
0x8: {  	p0 =	sne.s32 s4, $0x0;
	s30 =	sshrl.u32 s6, $0x7;
	s6 =	sshrl.u32 s6, $0x8  }
.Ltmp0:
0x9: {  	s8 =	simm.s32 @!p0 $0x0;
	s9 =	sand.u32 $0x1, s30;
	(pc) =	sbr.rel .LBB1_1-.Ltmp0, $4  }
0xa: {  	s4 =	simm.s32 $0x1;
	s5 =	sadd.s32 s8, s5;
	s6 =	sadd.s32 s6, s9  }
0xb: {  	s10 =	smov.u32 s3;
	[sflag:s4] =	ssyncpa.u1 $0x0;
	s5 =	smul.u32 s5, s6  }
0xc: {  	p0 =	por $0x0, $0x0;
	[sflag:s31] =	ssyncpa.u1 $0x0;
	s9 =	simm.s32 $0x4000  }
0xd: {  	s6 =	sadd.s32 $0x1E5000, s7;
	s7 =	sadd.s32 $0x5000, s7;
	s8 =	sadd.s32 $0x1, s5  }
.LBB1_4:
0xe: {  	v5 =	vld [tilespmem:s17+$0xFFFFFFD0];
	[tilespmem:s18+$0x2040 ss:$0x81] =	vst.msk $0xffff, v3  }
0xf: {  	v58 =	vld [tilespmem:s17+$0xFFFFFFE0];
	[tilespmem:s18+$0x2850 ss:$0x81] =	vst.msk $0xffff, v4;
	s20 =	sshll.u32 s14, $0xB;
	s21 =	sshll.u32 s13, $0x3  }
0x10: {  	s19 =	sshra.s32 s19, $0x2;
	v59 =	vld [tilespmem:s17+$0xFFFFFFF0];
	[tilespmem:s18+$0x3060 ss:$0x81] =	vst.msk $0xffff, v2;
	s20 =	sand.u32 $0xFFFFC000, s20;
	s22 =	sand.u32 $0xFFFFFC00, s21  }
0x11: {  	[tilespmem:s18+$0x0 ss:$0x81] =	vst.msk $0xffff, v0;
	v60 =	vld [tilespmem:s17+$0x0];
	s16 =	sadd.s32 s19, s16;
	s25 =	sadd.s32 s22, s20  }
0x12: {  	v61 =	vld [tilespmem:s17+$0x10];
	[tilespmem:s16+$0x3870 ss:$0x81] =	vst.msk $0xffff, v1;
	s18 =	sshrl.u32 s25, $0xB  }
0x13: {  	v62 =	vld [tilespmem:s17+$0x20];
	s26 =	smulhi.u32 $0xCCCCD, s18;
	[tilespmem:s16+$0x810 ss:$0x81] =	vst.msk $0xffff, v5  }
0x14: {  	v63 =	vld [tilespmem:s17+$0xFFFFFFC0];
	s27 =	sand.u32 $0x78, s13;
	s28 =	sshll.u32 s14, $0x7;
	s29 =	sand.u32 $0x400, s21;
	[tilespmem:s16+$0x1020 ss:$0x81] =	vst.msk $0xffff, v58  }
0x15: {  	s14 =	sand.u32 $0x380, s28;
	s17 =	sor.u32 s27, s29;
	[tilespmem:s16+$0x1830 ss:$0x81] =	vst.msk $0xffff, v59;
	s19 =	smul.u32 $0x1400, s26  }
0x16: {  	s14 =	sor.u32 s14, s17;
	[tilespmem:s16+$0x2040 ss:$0x81] =	vst.msk $0xffff, v60  }
0x17: {  	s31 =	sand.u32 $0x7, s13;
	s14 =	sshrl.u32 s14, $0x3;
	[tilespmem:s16+$0x2850 ss:$0x81] =	vst.msk $0xffff, v61;
	s30 =	ssub.s32 s18, s19  }
0x18: {  	s13 =	sshll.u32 s31, $0x12;
	[tilespmem:s16+$0x3060 ss:$0x81] =	vst.msk $0xffff, v62;
	s14 =	sadd.s32 s7, s14;
	s17 =	sshll.u32 s30, $0x8  }
0x19: {  	s13 =	sor.u32 $0x400, s13;
	[tilespmem:s16+$0x0 ss:$0x81] =	vst.msk $0xffff, v63;
	s14 =	sadd.s32 s17, s14  }
0x1a: {  	[hbm4b:s14+s13] =	stream.strided.scatter [tilespmem:s15], [sflag:$0x2], $0x4000, s9, s13, $0x20;
	[tilespmem:$0x10100] =	vst v63  }
.LBB1_5:
0x1b: {  	s15 =	sadd.s32 $0x100, s10  }
0x1c: {  	s13 =	sadd.s32 $0x800, s11;
	s17 =	smov.u32 s11;
	p2 =	sgt.s32 s15, $0x13FF  }
0x1d: {  	s17 =	smov.u32 @p2 s13  }
0x1e: {  	s15 =	smov.u32 @p2 s3;
	p2 =	sgt.s32 s17, $0x7FF  }
0x1f: {  	s17 =	smov.u32 @p2 s2;
	p2 =	sne.s32 s12, s8  }
.Ltmp1:
0x20: {  	p1 =	slt.u32 s12, $0x2;
	(pc) =	sbr.rel @!p2 .LBB1_6-.Ltmp1, $4  }
0x21: {  	s16 =	simm.s32 @!p1 $0x2  }
0x22: {  	s14 =	smov.u32 s10;
	p0 =	por !p0, !p0;
	_ =	swait.ge @!p1 [sflag:s16], $0x4000  }
0x23: {  	s13 =	smov.u32 s11;
	[sflag:s16] =	ssyncset.done @!p1 $0x0;
	s10 =	smov.u32 s15  }
0x24: {  	s12 =	sadd.s32 $0x1, s12;
	[sflag:s16] =	ssyncadd.s32 @!p1 $0xFFFFC000;
	s11 =	smov.u32 s17  }
.LBB1_1:
0x25: {  	p1 =	sge.u32 s12, s5  }
0x26: {  	s15 =	sshrl.u32 @!p1 s11, $0x3  }
0x27: {  	s16 =	sshll.u32 @!p1 s10, $0x3;
	s17 =	sshll.u32 @!p1 s11, $0x7;
	s15 =	smul.u32 @!p1 $0xA000, s15  }
0x28: {  	s18 =	sand.u32 @!p1 $0x7F, s10;
	s16 =	sand.u32 @!p1 $0xFFFFFC00, s16;
	s17 =	sand.u32 @!p1 $0x380, s17  }
0x29: {  	s15 =	sadd.s32 @!p1 s15, s16;
	s16 =	sor.u32 @!p1 s18, s17  }
0x2a: {  	s16 =	sor.u32 @!p1 s15, s16  }
0x2b: {  	s17 =	smulhi.u32 @!p1 $0xCCCCCCCD, s16;
	_ =	sdelay $0x1  }
0x2c: {  	s15 =	smulhi.u32 @!p1 $0xCCCCCCCD, s15;
	s17 =	sshrl.u32 @!p1 s17, $0xC  }
0x2d: {  	s17 =	smul.u32 @!p1 $0x1400, s17  }
0x2e: {  	s31 =	sadd.s32 $0xFFFFFFFF, s12;
	s18 =	sxor.u32 @!p1 $0xFFFFFFFF, s12;
	s15 =	sshrl.u32 @!p1 s15, $0xC  }
0x2f: {  	s18 =	sshll.u32 @!p1 s18, $0xE;
	s15 =	sand.u32 @!p1 $0x7FF, s15;
	s16 =	ssub.s32 @!p1 s16, s17  }
0x30: {  	s15 =	smul.u32 @!p1 $0x280, s15;
	s17 =	sshrl.u32 @!p1 s16, $0x3;
	s16 =	sand.u32 @!p1 $0x7, s16  }
0x31: {  	s18 =	sand.u32 @!p1 $0x4000, s18;
	s17 =	sadd.s32 @!p1 s6, s17;
	s16 =	sshll.u32 @!p1 s16, $0x12  }
0x32: {  	s15 =	sadd.s32 @!p1 s15, s17;
	s16 =	sor.u32 @!p1 $0x400, s16;
	s17 =	simm.s32 @!p1 $0xA000  }
0x33: {  	[tilespmem:s18], [sflag:$0x1] =	stream.strided.gather @!p1 [hbm4b:s15+s16], $0x4000, s17, s16, $0x38;
	[tilespmem:$0x10100] =	vst v63  }
0x34: {  	p1 =	sge.u32 s31, s5  }
.Ltmp2:
0x35: {  	_ = 	snop;
	(pc) =	sbr.rel @p1 .LBB1_5-.Ltmp2, $1  }
0x36: {  	_ =	sdelay $0x3  }
0x37: {  	s15 =	simm.s32 $0x1  }
0x38: {  	_ =	swait.ge [sflag:s4], $0x4000;
	s15 =	simm.s32 @!p0 $0x0  }
0x39: {  	[sflag:s4] =	ssyncset.done $0x0;
	s16 =	sshll.u32 s15, $0xE  }
0x3a: {  	[sflag:s4] =	ssyncadd.s32 $0xFFFFC000;
	s17 =	sor.u32 $0x40, s16  }
0x3b: {  	s15 =	smul.u32 $0x10200, s15;
	v0 =	vld [tilespmem:s17+$0x30]  }
0x3c: {  	v1 =	vld [tilespmem:s17+$0xFFFFFFD0]  }
0x3d: {  	s15 =	sshrl.u32 s15, $0x2;
	v5 =	vld [tilespmem:s17+$0xFFFFFFE0]  }
0x3e: {  	v6 =	vld [tilespmem:s17+$0xFFFFFFF0];
	s16 =	sor.u32 $0x8000, s15  }
0x3f: {  	s31 =	sand.u32 $0x1, s12;
	v3 =	vld [tilespmem:s17+$0x0];
	s18 =	sadd.s32 $0x0, s16  }
0x40: {  	v4 =	vld [tilespmem:s17+$0x10];
	s15 =	smul.u32 $0x10200, s31;
	[tilespmem:s18+$0x3870 ss:$0x81] =	vst.msk $0xffff, v0  }
0x41: {  	v2 =	vld [tilespmem:s17+$0x20];
	[tilespmem:s18+$0x810 ss:$0x81] =	vst.msk $0xffff, v1  }
0x42: {  	s15 =	sshrl.u32 s15, $0x2;
	v0 =	vld [tilespmem:s17+$0xFFFFFFC0];
	[tilespmem:s18+$0x1020 ss:$0x81] =	vst.msk $0xffff, v5;
	s17 =	sadd.s32 $0x80, s17  }
0x43: {  	s19 =	simm.s32 $0x4;
	s20 =	simm.s32 $0x8;
	s15 =	sor.u32 $0x8000, s15;
	[tilespmem:s18+$0x1830 ss:$0x81] =	vst.msk $0xffff, v6;
	v1 =	vld [tilespmem:s17+$0x30]  }
.LBB1_3:
0x44: {  	p1 =	sne.s32 s20, $0x1FC;
	v5 =	vld [tilespmem:s17+$0xFFFFFFD0];
	[tilespmem:s18+$0x2040 ss:$0x81] =	vst.msk $0xffff, v3  }
0x45: {  	v6 =	vld [tilespmem:s17+$0xFFFFFFE0];
	[tilespmem:s18+$0x2850 ss:$0x81] =	vst.msk $0xffff, v4  }
0x46: {  	s21 =	sshra.s32 s19, $0x2;
	s19 =	smov.u32 s20;
	v7 =	vld [tilespmem:s17+$0xFFFFFFF0];
	[tilespmem:s18+$0x3060 ss:$0x81] =	vst.msk $0xffff, v2  }
.Ltmp3:
0x47: {  	v3 =	vld [tilespmem:s17+$0x0];
	[tilespmem:s18+$0x0 ss:$0x81] =	vst.msk $0xffff, v0;
	s18 =	sadd.s32 s21, s16;
	(pc) =	sbr.rel @p1 .LBB1_3-.Ltmp3, $4  }
0x48: {  	v4 =	vld [tilespmem:s17+$0x10];
	[tilespmem:s18+$0x3870 ss:$0x81] =	vst.msk $0xffff, v1  }
0x49: {  	[tilespmem:s18+$0x810 ss:$0x81] =	vst.msk $0xffff, v5;
	v2 =	vld [tilespmem:s17+$0x20]  }
0x4a: {  	v0 =	vld [tilespmem:s17+$0xFFFFFFC0];
	[tilespmem:s18+$0x1020 ss:$0x81] =	vst.msk $0xffff, v6;
	s17 =	sadd.s32 $0x80, s17  }
0x4b: {  	s20 =	sadd.s32 $0x4, s20;
	v1 =	vld [tilespmem:s17+$0x30];
	[tilespmem:s18+$0x1830 ss:$0x81] =	vst.msk $0xffff, v7  }
.Ltmp4:
0x4c: {  	_ = 	snop;
	(pc) =	sbr.rel .LBB1_4-.Ltmp4, $1  }
0x4d: {  	_ =	sdelay $0x3  }
.LBB1_6:
0x4e: {  	_ =	sfence.sel $0x180000  }
0x4f: {  	s2 =	simm.s32 $0x1;
	[bflag:$0x0] =	sbarrier.arrive $0xFFFF  }
0x50: {  	s31 =	simm.s32 $0x2;
	[sflag:s2] =	ssyncpa.u1 $0x1  }
0x51: {  	[sflag:s31] =	ssyncpa.u1 $0x1  }
0x52: {  	p0 =	sne.s32 s1, $0x0;
	_ =	strace $0x9000004A  }
0x53: {  	s0 =	sadd.s32 @!p0 $0x100000, s0;
	[bflag:$0x2] =	sbarrier.arrive $0xFFFF  }
0x54: {  	[sflag:s0] =	ssyncadd.tile.s32 @!p0 $0x1;
	_ =	shalt  }
.Lfunc_end1:
_tile_overlayer_lowered:
.L_overlay_start_2:
0x55: {  	(tag) =	ssettag $0x2  }
0x56: {  	s0 =	rddreg [dreg:$0x0];
	s2 =	stileid.u32  }
0x57: {  	s1 =	rddreg [dreg:$0x1];
	p0 =	sne.s32 s2, $0x0  }
0x58: {  	s3 =	rddreg [dreg:$0x2];
	[bflag:$0x3] =	sbarrier.arrive $0xFFFF;
	s2 =	simm.s32 @!p0 $0x1C01  }
0x59: {  	[timem:s3], [sflag:s2] =	dma.local @!p0 [hbm:s0], s1  }
0x5a: {  	s0 =	simm.s32 @!p0 $0x1  }
0x5b: {  	_ =	swait.ge @!p0 [sflag:s0], s1  }
0x5c: {  	s1 =	ssub.s32 @!p0 $0x0, s1;
	[sflag:s0] =	ssyncset.done @!p0 $0x0  }
0x5d: {  	[sflag:s0] =	ssyncadd.s32 @!p0 s1  }
0x5e: {  	[bflag:$0x3] =	sbarrier.arrive $0xFFFF  }
0x5f: {  	_ =	shalt  }

</sc_bundles>
